<compile_context>
chip_gen: v7x
topology: tpu7x:2x2x1
jax: 0.10.2.dev20260603
libtpu: 0.0.44.dev20260713+nightly
codegen_flags: <defaults>
</compile_context>

<pallas_src>
import functools

import jax
import jax.numpy as jnp
from jax import lax
from jax.experimental import pallas as pl
from jax.experimental.pallas import tpu as pltpu
from jax.experimental.pallas import tpu_sc as plsc

TM = 64
FT = 256
EG = 4
DT = 512
EGD = 4
ALIGN = 8

SC_NC = 2
SC_NS = 16
SC_NW = SC_NC * SC_NS
SC_CH = 16


def _sc_gather_rows(table, idx):
    V, Dm = table.shape
    B = idx.shape[0]
    b_per_w = B // SC_NW
    n_iter = b_per_w // SC_CH
    mesh = plsc.VectorSubcoreMesh(core_axis_name="c", subcore_axis_name="s")

    @functools.partial(
        pl.kernel,
        mesh=mesh,
        out_type=jax.ShapeDtypeStruct((B, Dm), jnp.float32),
        scratch_types=[
            pltpu.VMEM((SC_CH,), jnp.int32),
            pltpu.VMEM((SC_CH,), jnp.int32),
            pltpu.VMEM((SC_CH, Dm), jnp.float32),
            pltpu.VMEM((SC_CH, Dm), jnp.float32),
            pltpu.SemaphoreType.DMA,
            pltpu.SemaphoreType.DMA,
        ],
    )
    def gather_k(table_hbm, idx_hbm, out_hbm, idx_v0, idx_v1, rows_v0,
                 rows_v1, sem0, sem1):
        wid = lax.axis_index("s") * SC_NC + lax.axis_index("c")
        base = wid * b_per_w
        bufs = [(idx_v0, rows_v0, sem0), (idx_v1, rows_v1, sem1)]

        pltpu.sync_copy(idx_hbm.at[pl.ds(base, SC_CH)], idx_v0)
        cps = {0: pltpu.async_copy(table_hbm.at[idx_v0], rows_v0, sem0)}
        for c in range(n_iter):
            idx_c, rows_c, _ = bufs[c % 2]
            if c + 1 < n_iter:
                idx_n, rows_n, sem_n = bufs[(c + 1) % 2]
                off_n = base + (c + 1) * SC_CH
                pltpu.sync_copy(idx_hbm.at[pl.ds(off_n, SC_CH)], idx_n)
                cps[c + 1] = pltpu.async_copy(table_hbm.at[idx_n], rows_n,
                                              sem_n)
            cps.pop(c).wait()
            pltpu.sync_copy(rows_c, out_hbm.at[pl.ds(base + c * SC_CH,
                                                     SC_CH)])

    return gather_k(table, idx)


def _gateup_body(poffs_ref, counts_ref, xs_ref, ws_ref, gate_ref, up_ref,
                 h_ref):
    eg = pl.program_id(1)
    npad = xs_ref.shape[0]

    for sub in range(EG):
        e = eg * EG + sub
        start = poffs_ref[e]
        cnt = counts_ref[e]
        nc = (cnt + TM - 1) // TM
        gate = gate_ref[sub]
        up = up_ref[sub]

        def body(c, carry, gate=gate, up=up, start=start):
            lo = start + c * TM
            row = pl.multiple_of(jnp.minimum(lo, npad - TM), ALIGN)
            xgt = xs_ref[pl.ds(row, TM), :].T
            gt = lax.dot_general(gate, xgt, (((1,), (0,)), ((), ())),
                                 preferred_element_type=jnp.float32)
            ut = lax.dot_general(up, xgt, (((1,), (0,)), ((), ())),
                                 preferred_element_type=jnp.float32)
            actt = (gt * jax.nn.sigmoid(gt)) * ut
            w = ws_ref[pl.ds(row, TM), :]
            h_ref[pl.ds(row, TM), :] = (actt.T * w).astype(jnp.bfloat16)
            return carry

        lax.fori_loop(0, nc, body, 0)


def _down_body(poffs_ref, counts_ref, h_ref, down_ref, y_ref):
    eg = pl.program_id(1)
    npad = h_ref.shape[0]

    for sub in range(EGD):
        e = eg * EGD + sub
        start = poffs_ref[e]
        cnt = counts_ref[e]
        nc = (cnt + TM - 1) // TM
        down = down_ref[sub]

        def body(c, carry, down=down, start=start):
            lo = start + c * TM
            row = pl.multiple_of(jnp.minimum(lo, npad - TM), ALIGN)
            at = h_ref[pl.ds(row, TM), :].astype(jnp.float32).T
            partt = lax.dot_general(down, at, (((1,), (0,)), ((), ())),
                                    preferred_element_type=jnp.float32)
            y_ref[pl.ds(row, TM), :] = partt.T
            return carry

        lax.fori_loop(0, nc, body, 0)


def _grouped_ffn(x_pad, w_pad, poffs, counts, gate_w, up_w, down_w):
    npad, Dm = x_pad.shape
    Em, Fm, _ = gate_w.shape
    nf = Fm // FT
    nd = Dm // DT
    gu_spec = pltpu.PrefetchScalarGridSpec(
        num_scalar_prefetch=2,
        grid=(nf, Em // EG),
        in_specs=[
            pl.BlockSpec((npad, Dm), lambda f, e, *_: (0, 0)),
            pl.BlockSpec((npad, 1), lambda f, e, *_: (0, 0)),
            pl.BlockSpec((EG, FT, Dm), lambda f, e, *_: (e, f, 0)),
            pl.BlockSpec((EG, FT, Dm), lambda f, e, *_: (e, f, 0)),
        ],
        out_specs=pl.BlockSpec((npad, FT), lambda f, e, *_: (0, f)),
    )
    h = pl.pallas_call(
        _gateup_body,
        grid_spec=gu_spec,
        out_shape=jax.ShapeDtypeStruct((npad, Fm), jnp.bfloat16),
        compiler_params=pltpu.CompilerParams(
            vmem_limit_bytes=64 * 1024 * 1024),
    )(poffs, counts, x_pad, w_pad, gate_w, up_w)
    dn_spec = pltpu.PrefetchScalarGridSpec(
        num_scalar_prefetch=2,
        grid=(nd, Em // EGD),
        in_specs=[
            pl.BlockSpec((npad, Fm), lambda d, e, *_: (0, 0)),
            pl.BlockSpec((EGD, DT, Fm), lambda d, e, *_: (e, d, 0)),
        ],
        out_specs=pl.BlockSpec((npad, DT), lambda d, e, *_: (0, d)),
    )
    return pl.pallas_call(
        _down_body,
        grid_spec=dn_spec,
        out_shape=jax.ShapeDtypeStruct((npad, Dm), jnp.float32),
        compiler_params=pltpu.CompilerParams(
            vmem_limit_bytes=64 * 1024 * 1024),
    )(poffs, counts, h, down_w)


def _routing(topk_ids, topk_weight, n, e, npad):
    ids = topk_ids[:, 0].astype(jnp.int32)
    w = topk_weight[:, 0].astype(jnp.float32)
    onehot = (ids[:, None] == jnp.arange(e, dtype=jnp.int32)[None, :])
    csum = jnp.cumsum(onehot.astype(jnp.int32), axis=0)
    rank = jnp.take_along_axis(csum, ids[:, None], axis=1)[:, 0] - 1
    counts = csum[-1].astype(jnp.int32)
    pcounts = ((counts + ALIGN - 1) // ALIGN) * ALIGN
    poffs = (jnp.cumsum(pcounts) - pcounts).astype(jnp.int32)
    pos = (poffs[ids] + rank).astype(jnp.int32)
    gidx = (jnp.arange(npad, dtype=jnp.int32) % n).at[pos].set(
        jnp.arange(n, dtype=jnp.int32))
    w_pad = jnp.zeros((npad,), jnp.float32).at[pos].set(w)
    return gidx, w_pad.reshape(npad, 1), pos, poffs, counts


def _npad(n, e):
    npad = n + e * ALIGN
    q = SC_CH * SC_NW
    return ((npad + q - 1) // q) * q


def kernel(x, topk_ids, topk_weight, gate_w, up_w, down_w):
    n, d = x.shape
    e = gate_w.shape[0]
    npad = _npad(n, e)
    gidx, w_pad, inv, poffs, counts = _routing(topk_ids, topk_weight, n, e,
                                               npad)
    x_pad = _sc_gather_rows(x, gidx)
    y_pad = _grouped_ffn(x_pad, w_pad, poffs, counts, gate_w, up_w, down_w)
    return _sc_gather_rows(y_pad, inv)

# --- scband reference (transcript-rebuilt; emitter-appended) ---
"""Pipeline reference for scband-ipexmo-e-11716670783496 (READ-ONLY COPY).

The authoritative reference and input builder live on the scoring server;
editing this copy changes nothing except your own understanding.
"""

import jax, jax.numpy as jnp
import numpy as np

E = 64
TOPK = 1
D = 2048
F = 2048
N = 2048


def setup_inputs(seed: int = 0) -> dict:
    key = jax.random.key(seed)
    ks = jax.random.split(key, 6)
    x = jax.random.normal(ks[0], (N, D), dtype=jnp.float32)
    topk_ids = jax.random.randint(ks[1], (N, TOPK), 0, E)
    topk_weight = jax.random.uniform(ks[2], (N, TOPK), dtype=jnp.float32)
    gate_w = jax.random.normal(ks[3], (E, F, D), dtype=jnp.float32) * 0.02
    up_w = jax.random.normal(ks[4], (E, F, D), dtype=jnp.float32) * 0.02
    down_w = jax.random.normal(ks[5], (E, D, F), dtype=jnp.float32) * 0.02
    return {"x": x, "topk_ids": topk_ids, "topk_weight": topk_weight,
            "gate_w": gate_w, "up_w": up_w, "down_w": down_w}


def reference(x, topk_ids, topk_weight, gate_w, up_w, down_w):
    # Faithful translation of IPEXMoE.forward:
    # for each expert, tokens routed to it receive the SiLU-gated MLP
    # output scaled by the routing weight; non-routed tokens receive an
    # exact-zero contribution, so the masked dense form matches the
    # original gather/scatter-add combine row-for-row.
    output = jnp.zeros_like(x)
    num_experts = gate_w.shape[0]

    def body(i, output):
        rw = jnp.sum(jnp.where(topk_ids == i, topk_weight, 0.0),
                     axis=1, keepdims=True)  # [N, 1]
        h = jnp.matmul(
            jax.nn.silu(jnp.matmul(x, gate_w[i].T)) * jnp.matmul(x, up_w[i].T),
            down_w[i].T,
        )
        return output + h * rw

    return jax.lax.fori_loop(0, num_experts, body, output)

if __name__ == "__main__":
    import jax
    _d = setup_inputs()
    print(jax.jit(kernel)(*tuple(_d.values())))

</pallas_src>

<mosaic_0001>
#map = affine_map<(d0, d1) -> (0, 0)>
#map1 = affine_map<(d0, d1) -> (0)>
module attributes {stable_mosaic.version = 14 : i64} {
  func.func @gather_k(%arg0: i32, %arg1: i32, %arg2: memref<2048x2048xf32, #tpu.memory_space<hbm>>, %arg3: memref<2560xi32, #tpu.memory_space<hbm>>, %arg4: memref<2560x2048xf32, #tpu.memory_space<hbm>>, %arg5: memref<16xi32, #tpu.memory_space<vmem>>, %arg6: memref<16xi32, #tpu.memory_space<vmem>>, %arg7: memref<16x2048xf32, #tpu.memory_space<vmem>>, %arg8: memref<16x2048xf32, #tpu.memory_space<vmem>>, %arg9: memref<!tpu.dma_semaphore, #tpu.memory_space<semaphore_mem>>, %arg10: memref<!tpu.dma_semaphore, #tpu.memory_space<semaphore_mem>>) attributes {dimension_semantics = [#tpu.dimension_semantics<core_parallel>, #tpu.dimension_semantics<subcore_parallel>], iteration_bounds = array<i64: 2, 16>, scalar_prefetch = 0 : i64, scratch_operands = 6 : i64, tpu.core_type = #tpu.core_type<sc_vector_subcore>, window_params = [{transform_indices = #map}, {transform_indices = #map1}, {transform_indices = #map}]} {
    %mul3A = arith.constant 2 : i32
    %mul3A_0 = arith.muli %arg1, %mul3A : i32
    %add3A = arith.addi %mul3A_0, %arg0 : i32
    %mul3A_1 = arith.constant 80 : i32
    %mul3A_2 = arith.muli %add3A, %mul3A_1 : i32
    "tpu.region"() ({
      %run_scoped3A = tpu.sem_alloc : memref<!tpu.dma_semaphore, #tpu.memory_space<semaphore_mem>>
      %dma_start3A_49 = tpu.memref_slice %arg3[%mul3A_2] : memref<2560xi32, #tpu.memory_space<hbm>> -> memref<16xi32, #tpu.memory_space<hbm>>
      %dma_start3A_50 = tpu.memref_slice %arg3[%mul3A_2] : memref<2560xi32, #tpu.memory_space<hbm>> -> memref<16xi32, #tpu.memory_space<hbm>>
      tpu.enqueue_dma source(%dma_start3A_50 : memref<16xi32, #tpu.memory_space<hbm>>) target(%arg5 : memref<16xi32, #tpu.memory_space<vmem>>) target_semaphore(%run_scoped3A : memref<!tpu.dma_semaphore, #tpu.memory_space<semaphore_mem>>)
      %dma_wait3A_51 = tpu.memref_slice %arg3[%mul3A_2] : memref<2560xi32, #tpu.memory_space<hbm>> -> memref<16xi32, #tpu.memory_space<hbm>>
      %dma_wait3A_52 = tpu.memref_slice %arg3[%mul3A_2] : memref<2560xi32, #tpu.memory_space<hbm>> -> memref<16xi32, #tpu.memory_space<hbm>>
      tpu.wait_dma2 semaphore(%run_scoped3A : memref<!tpu.dma_semaphore, #tpu.memory_space<semaphore_mem>>) src(%dma_wait3A_52 : memref<16xi32, #tpu.memory_space<hbm>>) dst(%arg5 : memref<16xi32, #tpu.memory_space<vmem>>)
      tpu.yield
    }) : () -> ()
    %dma_start3A = arith.constant 0 : i32
    %dma_start3A_3 = arith.constant 0 : i32
    %dma_start3A_4 = tpu.memref_slice %arg2[%dma_start3A, %dma_start3A_3] : memref<2048x2048xf32, #tpu.memory_space<hbm>> -> memref<2048x2048xf32, #tpu.memory_space<hbm>>
    tpu.enqueue_indirect_dma source(%dma_start3A_4 : memref<2048x2048xf32, #tpu.memory_space<hbm>>) target(%arg7 : memref<16x2048xf32, #tpu.memory_space<vmem>>) offsets(%arg5 : memref<16xi32, #tpu.memory_space<vmem>>) semaphore(%arg9 : memref<!tpu.dma_semaphore, #tpu.memory_space<semaphore_mem>>)
    %add3A_5 = arith.constant 16 : i32
    %add3A_6 = arith.addi %mul3A_2, %add3A_5 : i32
    "tpu.region"() ({
      %run_scoped3A = tpu.sem_alloc : memref<!tpu.dma_semaphore, #tpu.memory_space<semaphore_mem>>
      %dma_start3A_49 = tpu.memref_slice %arg3[%add3A_6] : memref<2560xi32, #tpu.memory_space<hbm>> -> memref<16xi32, #tpu.memory_space<hbm>>
      %dma_start3A_50 = tpu.memref_slice %arg3[%add3A_6] : memref<2560xi32, #tpu.memory_space<hbm>> -> memref<16xi32, #tpu.memory_space<hbm>>
      tpu.enqueue_dma source(%dma_start3A_50 : memref<16xi32, #tpu.memory_space<hbm>>) target(%arg6 : memref<16xi32, #tpu.memory_space<vmem>>) target_semaphore(%run_scoped3A : memref<!tpu.dma_semaphore, #tpu.memory_space<semaphore_mem>>)
      %dma_wait3A_51 = tpu.memref_slice %arg3[%add3A_6] : memref<2560xi32, #tpu.memory_space<hbm>> -> memref<16xi32, #tpu.memory_space<hbm>>
      %dma_wait3A_52 = tpu.memref_slice %arg3[%add3A_6] : memref<2560xi32, #tpu.memory_space<hbm>> -> memref<16xi32, #tpu.memory_space<hbm>>
      tpu.wait_dma2 semaphore(%run_scoped3A : memref<!tpu.dma_semaphore, #tpu.memory_space<semaphore_mem>>) src(%dma_wait3A_52 : memref<16xi32, #tpu.memory_space<hbm>>) dst(%arg6 : memref<16xi32, #tpu.memory_space<vmem>>)
      tpu.yield
    }) : () -> ()
    %dma_start3A_7 = arith.constant 0 : i32
    %dma_start3A_8 = arith.constant 0 : i32
    %dma_start3A_9 = tpu.memref_slice %arg2[%dma_start3A_7, %dma_start3A_8] : memref<2048x2048xf32, #tpu.memory_space<hbm>> -> memref<2048x2048xf32, #tpu.memory_space<hbm>>
    tpu.enqueue_indirect_dma source(%dma_start3A_9 : memref<2048x2048xf32, #tpu.memory_space<hbm>>) target(%arg8 : memref<16x2048xf32, #tpu.memory_space<vmem>>) offsets(%arg6 : memref<16xi32, #tpu.memory_space<vmem>>) semaphore(%arg10 : memref<!tpu.dma_semaphore, #tpu.memory_space<semaphore_mem>>)
    %dma_wait3A = arith.constant 0 : i32
    %dma_wait3A_10 = arith.constant 0 : i32
    %dma_wait3A_11 = tpu.memref_slice %arg2[%dma_wait3A, %dma_wait3A_10] : memref<2048x2048xf32, #tpu.memory_space<hbm>> -> memref<2048x2048xf32, #tpu.memory_space<hbm>>
    tpu.wait_indirect_dma semaphore(%arg9 : memref<!tpu.dma_semaphore, #tpu.memory_space<semaphore_mem>>) src(%dma_wait3A_11 : memref<2048x2048xf32, #tpu.memory_space<hbm>>) dst(%arg7 : memref<16x2048xf32, #tpu.memory_space<vmem>>)
    %add3A_12 = arith.constant 0 : i32
    %add3A_13 = arith.addi %mul3A_2, %add3A_12 : i32
    "tpu.region"() ({
      %run_scoped3A = tpu.sem_alloc : memref<!tpu.dma_semaphore, #tpu.memory_space<semaphore_mem>>
      %dma_start3A_49 = arith.constant 0 : i32
      %dma_start3A_50 = tpu.memref_slice %arg4[%add3A_13, %dma_start3A_49] : memref<2560x2048xf32, #tpu.memory_space<hbm>> -> memref<16x2048xf32, #tpu.memory_space<hbm>>
      %dma_start3A_51 = arith.constant 0 : i32
      %dma_start3A_52 = tpu.memref_slice %arg4[%add3A_13, %dma_start3A_51] : memref<2560x2048xf32, #tpu.memory_space<hbm>> -> memref<16x2048xf32, #tpu.memory_space<hbm>>
      tpu.enqueue_dma source(%arg7 : memref<16x2048xf32, #tpu.memory_space<vmem>>) target(%dma_start3A_52 : memref<16x2048xf32, #tpu.memory_space<hbm>>) target_semaphore(%run_scoped3A : memref<!tpu.dma_semaphore, #tpu.memory_space<semaphore_mem>>)
      %dma_wait3A_53 = arith.constant 0 : i32
      %dma_wait3A_54 = tpu.memref_slice %arg4[%add3A_13, %dma_wait3A_53] : memref<2560x2048xf32, #tpu.memory_space<hbm>> -> memref<16x2048xf32, #tpu.memory_space<hbm>>
      %dma_wait3A_55 = arith.constant 0 : i32
      %dma_wait3A_56 = tpu.memref_slice %arg4[%add3A_13, %dma_wait3A_55] : memref<2560x2048xf32, #tpu.memory_space<hbm>> -> memref<16x2048xf32, #tpu.memory_space<hbm>>
      tpu.wait_dma2 semaphore(%run_scoped3A : memref<!tpu.dma_semaphore, #tpu.memory_space<semaphore_mem>>) src(%arg7 : memref<16x2048xf32, #tpu.memory_space<vmem>>) dst(%dma_wait3A_56 : memref<16x2048xf32, #tpu.memory_space<hbm>>)
      tpu.yield
    }) : () -> ()
    %add3A_14 = arith.constant 32 : i32
    %add3A_15 = arith.addi %mul3A_2, %add3A_14 : i32
    "tpu.region"() ({
      %run_scoped3A = tpu.sem_alloc : memref<!tpu.dma_semaphore, #tpu.memory_space<semaphore_mem>>
      %dma_start3A_49 = tpu.memref_slice %arg3[%add3A_15] : memref<2560xi32, #tpu.memory_space<hbm>> -> memref<16xi32, #tpu.memory_space<hbm>>
      %dma_start3A_50 = tpu.memref_slice %arg3[%add3A_15] : memref<2560xi32, #tpu.memory_space<hbm>> -> memref<16xi32, #tpu.memory_space<hbm>>
      tpu.enqueue_dma source(%dma_start3A_50 : memref<16xi32, #tpu.memory_space<hbm>>) target(%arg5 : memref<16xi32, #tpu.memory_space<vmem>>) target_semaphore(%run_scoped3A : memref<!tpu.dma_semaphore, #tpu.memory_space<semaphore_mem>>)
      %dma_wait3A_51 = tpu.memref_slice %arg3[%add3A_15] : memref<2560xi32, #tpu.memory_space<hbm>> -> memref<16xi32, #tpu.memory_space<hbm>>
      %dma_wait3A_52 = tpu.memref_slice %arg3[%add3A_15] : memref<2560xi32, #tpu.memory_space<hbm>> -> memref<16xi32, #tpu.memory_space<hbm>>
      tpu.wait_dma2 semaphore(%run_scoped3A : memref<!tpu.dma_semaphore, #tpu.memory_space<semaphore_mem>>) src(%dma_wait3A_52 : memref<16xi32, #tpu.memory_space<hbm>>) dst(%arg5 : memref<16xi32, #tpu.memory_space<vmem>>)
      tpu.yield
    }) : () -> ()
    %dma_start3A_16 = arith.constant 0 : i32
    %dma_start3A_17 = arith.constant 0 : i32
    %dma_start3A_18 = tpu.memref_slice %arg2[%dma_start3A_16, %dma_start3A_17] : memref<2048x2048xf32, #tpu.memory_space<hbm>> -> memref<2048x2048xf32, #tpu.memory_space<hbm>>
    tpu.enqueue_indirect_dma source(%dma_start3A_18 : memref<2048x2048xf32, #tpu.memory_space<hbm>>) target(%arg7 : memref<16x2048xf32, #tpu.memory_space<vmem>>) offsets(%arg5 : memref<16xi32, #tpu.memory_space<vmem>>) semaphore(%arg9 : memref<!tpu.dma_semaphore, #tpu.memory_space<semaphore_mem>>)
    %dma_wait3A_19 = arith.constant 0 : i32
    %dma_wait3A_20 = arith.constant 0 : i32
    %dma_wait3A_21 = tpu.memref_slice %arg2[%dma_wait3A_19, %dma_wait3A_20] : memref<2048x2048xf32, #tpu.memory_space<hbm>> -> memref<2048x2048xf32, #tpu.memory_space<hbm>>
    tpu.wait_indirect_dma semaphore(%arg10 : memref<!tpu.dma_semaphore, #tpu.memory_space<semaphore_mem>>) src(%dma_wait3A_21 : memref<2048x2048xf32, #tpu.memory_space<hbm>>) dst(%arg8 : memref<16x2048xf32, #tpu.memory_space<vmem>>)
    %add3A_22 = arith.constant 16 : i32
    %add3A_23 = arith.addi %mul3A_2, %add3A_22 : i32
    "tpu.region"() ({
      %run_scoped3A = tpu.sem_alloc : memref<!tpu.dma_semaphore, #tpu.memory_space<semaphore_mem>>
      %dma_start3A_49 = arith.constant 0 : i32
      %dma_start3A_50 = tpu.memref_slice %arg4[%add3A_23, %dma_start3A_49] : memref<2560x2048xf32, #tpu.memory_space<hbm>> -> memref<16x2048xf32, #tpu.memory_space<hbm>>
      %dma_start3A_51 = arith.constant 0 : i32
      %dma_start3A_52 = tpu.memref_slice %arg4[%add3A_23, %dma_start3A_51] : memref<2560x2048xf32, #tpu.memory_space<hbm>> -> memref<16x2048xf32, #tpu.memory_space<hbm>>
      tpu.enqueue_dma source(%arg8 : memref<16x2048xf32, #tpu.memory_space<vmem>>) target(%dma_start3A_52 : memref<16x2048xf32, #tpu.memory_space<hbm>>) target_semaphore(%run_scoped3A : memref<!tpu.dma_semaphore, #tpu.memory_space<semaphore_mem>>)
      %dma_wait3A_53 = arith.constant 0 : i32
      %dma_wait3A_54 = tpu.memref_slice %arg4[%add3A_23, %dma_wait3A_53] : memref<2560x2048xf32, #tpu.memory_space<hbm>> -> memref<16x2048xf32, #tpu.memory_space<hbm>>
      %dma_wait3A_55 = arith.constant 0 : i32
      %dma_wait3A_56 = tpu.memref_slice %arg4[%add3A_23, %dma_wait3A_55] : memref<2560x2048xf32, #tpu.memory_space<hbm>> -> memref<16x2048xf32, #tpu.memory_space<hbm>>
      tpu.wait_dma2 semaphore(%run_scoped3A : memref<!tpu.dma_semaphore, #tpu.memory_space<semaphore_mem>>) src(%arg8 : memref<16x2048xf32, #tpu.memory_space<vmem>>) dst(%dma_wait3A_56 : memref<16x2048xf32, #tpu.memory_space<hbm>>)
      tpu.yield
    }) : () -> ()
    %add3A_24 = arith.constant 48 : i32
    %add3A_25 = arith.addi %mul3A_2, %add3A_24 : i32
    "tpu.region"() ({
      %run_scoped3A = tpu.sem_alloc : memref<!tpu.dma_semaphore, #tpu.memory_space<semaphore_mem>>
      %dma_start3A_49 = tpu.memref_slice %arg3[%add3A_25] : memref<2560xi32, #tpu.memory_space<hbm>> -> memref<16xi32, #tpu.memory_space<hbm>>
      %dma_start3A_50 = tpu.memref_slice %arg3[%add3A_25] : memref<2560xi32, #tpu.memory_space<hbm>> -> memref<16xi32, #tpu.memory_space<hbm>>
      tpu.enqueue_dma source(%dma_start3A_50 : memref<16xi32, #tpu.memory_space<hbm>>) target(%arg6 : memref<16xi32, #tpu.memory_space<vmem>>) target_semaphore(%run_scoped3A : memref<!tpu.dma_semaphore, #tpu.memory_space<semaphore_mem>>)
      %dma_wait3A_51 = tpu.memref_slice %arg3[%add3A_25] : memref<2560xi32, #tpu.memory_space<hbm>> -> memref<16xi32, #tpu.memory_space<hbm>>
      %dma_wait3A_52 = tpu.memref_slice %arg3[%add3A_25] : memref<2560xi32, #tpu.memory_space<hbm>> -> memref<16xi32, #tpu.memory_space<hbm>>
      tpu.wait_dma2 semaphore(%run_scoped3A : memref<!tpu.dma_semaphore, #tpu.memory_space<semaphore_mem>>) src(%dma_wait3A_52 : memref<16xi32, #tpu.memory_space<hbm>>) dst(%arg6 : memref<16xi32, #tpu.memory_space<vmem>>)
      tpu.yield
    }) : () -> ()
    %dma_start3A_26 = arith.constant 0 : i32
    %dma_start3A_27 = arith.constant 0 : i32
    %dma_start3A_28 = tpu.memref_slice %arg2[%dma_start3A_26, %dma_start3A_27] : memref<2048x2048xf32, #tpu.memory_space<hbm>> -> memref<2048x2048xf32, #tpu.memory_space<hbm>>
    tpu.enqueue_indirect_dma source(%dma_start3A_28 : memref<2048x2048xf32, #tpu.memory_space<hbm>>) target(%arg8 : memref<16x2048xf32, #tpu.memory_space<vmem>>) offsets(%arg6 : memref<16xi32, #tpu.memory_space<vmem>>) semaphore(%arg10 : memref<!tpu.dma_semaphore, #tpu.memory_space<semaphore_mem>>)
    %dma_wait3A_29 = arith.constant 0 : i32
    %dma_wait3A_30 = arith.constant 0 : i32
    %dma_wait3A_31 = tpu.memref_slice %arg2[%dma_wait3A_29, %dma_wait3A_30] : memref<2048x2048xf32, #tpu.memory_space<hbm>> -> memref<2048x2048xf32, #tpu.memory_space<hbm>>
    tpu.wait_indirect_dma semaphore(%arg9 : memref<!tpu.dma_semaphore, #tpu.memory_space<semaphore_mem>>) src(%dma_wait3A_31 : memref<2048x2048xf32, #tpu.memory_space<hbm>>) dst(%arg7 : memref<16x2048xf32, #tpu.memory_space<vmem>>)
    %add3A_32 = arith.constant 32 : i32
    %add3A_33 = arith.addi %mul3A_2, %add3A_32 : i32
    "tpu.region"() ({
      %run_scoped3A = tpu.sem_alloc : memref<!tpu.dma_semaphore, #tpu.memory_space<semaphore_mem>>
      %dma_start3A_49 = arith.constant 0 : i32
      %dma_start3A_50 = tpu.memref_slice %arg4[%add3A_33, %dma_start3A_49] : memref<2560x2048xf32, #tpu.memory_space<hbm>> -> memref<16x2048xf32, #tpu.memory_space<hbm>>
      %dma_start3A_51 = arith.constant 0 : i32
      %dma_start3A_52 = tpu.memref_slice %arg4[%add3A_33, %dma_start3A_51] : memref<2560x2048xf32, #tpu.memory_space<hbm>> -> memref<16x2048xf32, #tpu.memory_space<hbm>>
      tpu.enqueue_dma source(%arg7 : memref<16x2048xf32, #tpu.memory_space<vmem>>) target(%dma_start3A_52 : memref<16x2048xf32, #tpu.memory_space<hbm>>) target_semaphore(%run_scoped3A : memref<!tpu.dma_semaphore, #tpu.memory_space<semaphore_mem>>)
      %dma_wait3A_53 = arith.constant 0 : i32
      %dma_wait3A_54 = tpu.memref_slice %arg4[%add3A_33, %dma_wait3A_53] : memref<2560x2048xf32, #tpu.memory_space<hbm>> -> memref<16x2048xf32, #tpu.memory_space<hbm>>
      %dma_wait3A_55 = arith.constant 0 : i32
      %dma_wait3A_56 = tpu.memref_slice %arg4[%add3A_33, %dma_wait3A_55] : memref<2560x2048xf32, #tpu.memory_space<hbm>> -> memref<16x2048xf32, #tpu.memory_space<hbm>>
      tpu.wait_dma2 semaphore(%run_scoped3A : memref<!tpu.dma_semaphore, #tpu.memory_space<semaphore_mem>>) src(%arg7 : memref<16x2048xf32, #tpu.memory_space<vmem>>) dst(%dma_wait3A_56 : memref<16x2048xf32, #tpu.memory_space<hbm>>)
      tpu.yield
    }) : () -> ()
    %add3A_34 = arith.constant 64 : i32
    %add3A_35 = arith.addi %mul3A_2, %add3A_34 : i32
    "tpu.region"() ({
      %run_scoped3A = tpu.sem_alloc : memref<!tpu.dma_semaphore, #tpu.memory_space<semaphore_mem>>
      %dma_start3A_49 = tpu.memref_slice %arg3[%add3A_35] : memref<2560xi32, #tpu.memory_space<hbm>> -> memref<16xi32, #tpu.memory_space<hbm>>
      %dma_start3A_50 = tpu.memref_slice %arg3[%add3A_35] : memref<2560xi32, #tpu.memory_space<hbm>> -> memref<16xi32, #tpu.memory_space<hbm>>
      tpu.enqueue_dma source(%dma_start3A_50 : memref<16xi32, #tpu.memory_space<hbm>>) target(%arg5 : memref<16xi32, #tpu.memory_space<vmem>>) target_semaphore(%run_scoped3A : memref<!tpu.dma_semaphore, #tpu.memory_space<semaphore_mem>>)
      %dma_wait3A_51 = tpu.memref_slice %arg3[%add3A_35] : memref<2560xi32, #tpu.memory_space<hbm>> -> memref<16xi32, #tpu.memory_space<hbm>>
      %dma_wait3A_52 = tpu.memref_slice %arg3[%add3A_35] : memref<2560xi32, #tpu.memory_space<hbm>> -> memref<16xi32, #tpu.memory_space<hbm>>
      tpu.wait_dma2 semaphore(%run_scoped3A : memref<!tpu.dma_semaphore, #tpu.memory_space<semaphore_mem>>) src(%dma_wait3A_52 : memref<16xi32, #tpu.memory_space<hbm>>) dst(%arg5 : memref<16xi32, #tpu.memory_space<vmem>>)
      tpu.yield
    }) : () -> ()
    %dma_start3A_36 = arith.constant 0 : i32
    %dma_start3A_37 = arith.constant 0 : i32
    %dma_start3A_38 = tpu.memref_slice %arg2[%dma_start3A_36, %dma_start3A_37] : memref<2048x2048xf32, #tpu.memory_space<hbm>> -> memref<2048x2048xf32, #tpu.memory_space<hbm>>
    tpu.enqueue_indirect_dma source(%dma_start3A_38 : memref<2048x2048xf32, #tpu.memory_space<hbm>>) target(%arg7 : memref<16x2048xf32, #tpu.memory_space<vmem>>) offsets(%arg5 : memref<16xi32, #tpu.memory_space<vmem>>) semaphore(%arg9 : memref<!tpu.dma_semaphore, #tpu.memory_space<semaphore_mem>>)
    %dma_wait3A_39 = arith.constant 0 : i32
    %dma_wait3A_40 = arith.constant 0 : i32
    %dma_wait3A_41 = tpu.memref_slice %arg2[%dma_wait3A_39, %dma_wait3A_40] : memref<2048x2048xf32, #tpu.memory_space<hbm>> -> memref<2048x2048xf32, #tpu.memory_space<hbm>>
    tpu.wait_indirect_dma semaphore(%arg10 : memref<!tpu.dma_semaphore, #tpu.memory_space<semaphore_mem>>) src(%dma_wait3A_41 : memref<2048x2048xf32, #tpu.memory_space<hbm>>) dst(%arg8 : memref<16x2048xf32, #tpu.memory_space<vmem>>)
    %add3A_42 = arith.constant 48 : i32
    %add3A_43 = arith.addi %mul3A_2, %add3A_42 : i32
    "tpu.region"() ({
      %run_scoped3A = tpu.sem_alloc : memref<!tpu.dma_semaphore, #tpu.memory_space<semaphore_mem>>
      %dma_start3A_49 = arith.constant 0 : i32
      %dma_start3A_50 = tpu.memref_slice %arg4[%add3A_43, %dma_start3A_49] : memref<2560x2048xf32, #tpu.memory_space<hbm>> -> memref<16x2048xf32, #tpu.memory_space<hbm>>
      %dma_start3A_51 = arith.constant 0 : i32
      %dma_start3A_52 = tpu.memref_slice %arg4[%add3A_43, %dma_start3A_51] : memref<2560x2048xf32, #tpu.memory_space<hbm>> -> memref<16x2048xf32, #tpu.memory_space<hbm>>
      tpu.enqueue_dma source(%arg8 : memref<16x2048xf32, #tpu.memory_space<vmem>>) target(%dma_start3A_52 : memref<16x2048xf32, #tpu.memory_space<hbm>>) target_semaphore(%run_scoped3A : memref<!tpu.dma_semaphore, #tpu.memory_space<semaphore_mem>>)
      %dma_wait3A_53 = arith.constant 0 : i32
      %dma_wait3A_54 = tpu.memref_slice %arg4[%add3A_43, %dma_wait3A_53] : memref<2560x2048xf32, #tpu.memory_space<hbm>> -> memref<16x2048xf32, #tpu.memory_space<hbm>>
      %dma_wait3A_55 = arith.constant 0 : i32
      %dma_wait3A_56 = tpu.memref_slice %arg4[%add3A_43, %dma_wait3A_55] : memref<2560x2048xf32, #tpu.memory_space<hbm>> -> memref<16x2048xf32, #tpu.memory_space<hbm>>
      tpu.wait_dma2 semaphore(%run_scoped3A : memref<!tpu.dma_semaphore, #tpu.memory_space<semaphore_mem>>) src(%arg8 : memref<16x2048xf32, #tpu.memory_space<vmem>>) dst(%dma_wait3A_56 : memref<16x2048xf32, #tpu.memory_space<hbm>>)
      tpu.yield
    }) : () -> ()
    %dma_wait3A_44 = arith.constant 0 : i32
    %dma_wait3A_45 = arith.constant 0 : i32
    %dma_wait3A_46 = tpu.memref_slice %arg2[%dma_wait3A_44, %dma_wait3A_45] : memref<2048x2048xf32, #tpu.memory_space<hbm>> -> memref<2048x2048xf32, #tpu.memory_space<hbm>>
    tpu.wait_indirect_dma semaphore(%arg9 : memref<!tpu.dma_semaphore, #tpu.memory_space<semaphore_mem>>) src(%dma_wait3A_46 : memref<2048x2048xf32, #tpu.memory_space<hbm>>) dst(%arg7 : memref<16x2048xf32, #tpu.memory_space<vmem>>)
    %add3A_47 = arith.constant 64 : i32
    %add3A_48 = arith.addi %mul3A_2, %add3A_47 : i32
    "tpu.region"() ({
      %run_scoped3A = tpu.sem_alloc : memref<!tpu.dma_semaphore, #tpu.memory_space<semaphore_mem>>
      %dma_start3A_49 = arith.constant 0 : i32
      %dma_start3A_50 = tpu.memref_slice %arg4[%add3A_48, %dma_start3A_49] : memref<2560x2048xf32, #tpu.memory_space<hbm>> -> memref<16x2048xf32, #tpu.memory_space<hbm>>
      %dma_start3A_51 = arith.constant 0 : i32
      %dma_start3A_52 = tpu.memref_slice %arg4[%add3A_48, %dma_start3A_51] : memref<2560x2048xf32, #tpu.memory_space<hbm>> -> memref<16x2048xf32, #tpu.memory_space<hbm>>
      tpu.enqueue_dma source(%arg7 : memref<16x2048xf32, #tpu.memory_space<vmem>>) target(%dma_start3A_52 : memref<16x2048xf32, #tpu.memory_space<hbm>>) target_semaphore(%run_scoped3A : memref<!tpu.dma_semaphore, #tpu.memory_space<semaphore_mem>>)
      %dma_wait3A_53 = arith.constant 0 : i32
      %dma_wait3A_54 = tpu.memref_slice %arg4[%add3A_48, %dma_wait3A_53] : memref<2560x2048xf32, #tpu.memory_space<hbm>> -> memref<16x2048xf32, #tpu.memory_space<hbm>>
      %dma_wait3A_55 = arith.constant 0 : i32
      %dma_wait3A_56 = tpu.memref_slice %arg4[%add3A_48, %dma_wait3A_55] : memref<2560x2048xf32, #tpu.memory_space<hbm>> -> memref<16x2048xf32, #tpu.memory_space<hbm>>
      tpu.wait_dma2 semaphore(%run_scoped3A : memref<!tpu.dma_semaphore, #tpu.memory_space<semaphore_mem>>) src(%arg7 : memref<16x2048xf32, #tpu.memory_space<vmem>>) dst(%dma_wait3A_56 : memref<16x2048xf32, #tpu.memory_space<hbm>>)
      tpu.yield
    }) : () -> ()
    return
  }
}

#map = affine_map<(d0, d1) -> (0, 0)>
#map1 = affine_map<(d0, d1) -> (0)>
module attributes {stable_mosaic.version = 14 : i64} {
  func.func @gather_k(%arg0: i32, %arg1: i32, %arg2: memref<2560x2048xf32, #tpu.memory_space<hbm>>, %arg3: memref<2048xi32, #tpu.memory_space<hbm>>, %arg4: memref<2048x2048xf32, #tpu.memory_space<hbm>>, %arg5: memref<16xi32, #tpu.memory_space<vmem>>, %arg6: memref<16xi32, #tpu.memory_space<vmem>>, %arg7: memref<16x2048xf32, #tpu.memory_space<vmem>>, %arg8: memref<16x2048xf32, #tpu.memory_space<vmem>>, %arg9: memref<!tpu.dma_semaphore, #tpu.memory_space<semaphore_mem>>, %arg10: memref<!tpu.dma_semaphore, #tpu.memory_space<semaphore_mem>>) attributes {dimension_semantics = [#tpu.dimension_semantics<core_parallel>, #tpu.dimension_semantics<subcore_parallel>], iteration_bounds = array<i64: 2, 16>, scalar_prefetch = 0 : i64, scratch_operands = 6 : i64, tpu.core_type = #tpu.core_type<sc_vector_subcore>, window_params = [{transform_indices = #map}, {transform_indices = #map1}, {transform_indices = #map}]} {
    %mul3A = arith.constant 2 : i32
    %mul3A_0 = arith.muli %arg1, %mul3A : i32
    %add3A = arith.addi %mul3A_0, %arg0 : i32
    %mul3A_1 = arith.constant 64 : i32
    %mul3A_2 = arith.muli %add3A, %mul3A_1 : i32
    "tpu.region"() ({
      %run_scoped3A = tpu.sem_alloc : memref<!tpu.dma_semaphore, #tpu.memory_space<semaphore_mem>>
      %dma_start3A_39 = tpu.memref_slice %arg3[%mul3A_2] : memref<2048xi32, #tpu.memory_space<hbm>> -> memref<16xi32, #tpu.memory_space<hbm>>
      %dma_start3A_40 = tpu.memref_slice %arg3[%mul3A_2] : memref<2048xi32, #tpu.memory_space<hbm>> -> memref<16xi32, #tpu.memory_space<hbm>>
      tpu.enqueue_dma source(%dma_start3A_40 : memref<16xi32, #tpu.memory_space<hbm>>) target(%arg5 : memref<16xi32, #tpu.memory_space<vmem>>) target_semaphore(%run_scoped3A : memref<!tpu.dma_semaphore, #tpu.memory_space<semaphore_mem>>)
      %dma_wait3A_41 = tpu.memref_slice %arg3[%mul3A_2] : memref<2048xi32, #tpu.memory_space<hbm>> -> memref<16xi32, #tpu.memory_space<hbm>>
      %dma_wait3A_42 = tpu.memref_slice %arg3[%mul3A_2] : memref<2048xi32, #tpu.memory_space<hbm>> -> memref<16xi32, #tpu.memory_space<hbm>>
      tpu.wait_dma2 semaphore(%run_scoped3A : memref<!tpu.dma_semaphore, #tpu.memory_space<semaphore_mem>>) src(%dma_wait3A_42 : memref<16xi32, #tpu.memory_space<hbm>>) dst(%arg5 : memref<16xi32, #tpu.memory_space<vmem>>)
      tpu.yield
    }) : () -> ()
    %dma_start3A = arith.constant 0 : i32
    %dma_start3A_3 = arith.constant 0 : i32
    %dma_start3A_4 = tpu.memref_slice %arg2[%dma_start3A, %dma_start3A_3] : memref<2560x2048xf32, #tpu.memory_space<hbm>> -> memref<2560x2048xf32, #tpu.memory_space<hbm>>
    tpu.enqueue_indirect_dma source(%dma_start3A_4 : memref<2560x2048xf32, #tpu.memory_space<hbm>>) target(%arg7 : memref<16x2048xf32, #tpu.memory_space<vmem>>) offsets(%arg5 : memref<16xi32, #tpu.memory_space<vmem>>) semaphore(%arg9 : memref<!tpu.dma_semaphore, #tpu.memory_space<semaphore_mem>>)
    %add3A_5 = arith.constant 16 : i32
    %add3A_6 = arith.addi %mul3A_2, %add3A_5 : i32
    "tpu.region"() ({
      %run_scoped3A = tpu.sem_alloc : memref<!tpu.dma_semaphore, #tpu.memory_space<semaphore_mem>>
      %dma_start3A_39 = tpu.memref_slice %arg3[%add3A_6] : memref<2048xi32, #tpu.memory_space<hbm>> -> memref<16xi32, #tpu.memory_space<hbm>>
      %dma_start3A_40 = tpu.memref_slice %arg3[%add3A_6] : memref<2048xi32, #tpu.memory_space<hbm>> -> memref<16xi32, #tpu.memory_space<hbm>>
      tpu.enqueue_dma source(%dma_start3A_40 : memref<16xi32, #tpu.memory_space<hbm>>) target(%arg6 : memref<16xi32, #tpu.memory_space<vmem>>) target_semaphore(%run_scoped3A : memref<!tpu.dma_semaphore, #tpu.memory_space<semaphore_mem>>)
      %dma_wait3A_41 = tpu.memref_slice %arg3[%add3A_6] : memref<2048xi32, #tpu.memory_space<hbm>> -> memref<16xi32, #tpu.memory_space<hbm>>
      %dma_wait3A_42 = tpu.memref_slice %arg3[%add3A_6] : memref<2048xi32, #tpu.memory_space<hbm>> -> memref<16xi32, #tpu.memory_space<hbm>>
      tpu.wait_dma2 semaphore(%run_scoped3A : memref<!tpu.dma_semaphore, #tpu.memory_space<semaphore_mem>>) src(%dma_wait3A_42 : memref<16xi32, #tpu.memory_space<hbm>>) dst(%arg6 : memref<16xi32, #tpu.memory_space<vmem>>)
      tpu.yield
    }) : () -> ()
    %dma_start3A_7 = arith.constant 0 : i32
    %dma_start3A_8 = arith.constant 0 : i32
    %dma_start3A_9 = tpu.memref_slice %arg2[%dma_start3A_7, %dma_start3A_8] : memref<2560x2048xf32, #tpu.memory_space<hbm>> -> memref<2560x2048xf32, #tpu.memory_space<hbm>>
    tpu.enqueue_indirect_dma source(%dma_start3A_9 : memref<2560x2048xf32, #tpu.memory_space<hbm>>) target(%arg8 : memref<16x2048xf32, #tpu.memory_space<vmem>>) offsets(%arg6 : memref<16xi32, #tpu.memory_space<vmem>>) semaphore(%arg10 : memref<!tpu.dma_semaphore, #tpu.memory_space<semaphore_mem>>)
    %dma_wait3A = arith.constant 0 : i32
    %dma_wait3A_10 = arith.constant 0 : i32
    %dma_wait3A_11 = tpu.memref_slice %arg2[%dma_wait3A, %dma_wait3A_10] : memref<2560x2048xf32, #tpu.memory_space<hbm>> -> memref<2560x2048xf32, #tpu.memory_space<hbm>>
    tpu.wait_indirect_dma semaphore(%arg9 : memref<!tpu.dma_semaphore, #tpu.memory_space<semaphore_mem>>) src(%dma_wait3A_11 : memref<2560x2048xf32, #tpu.memory_space<hbm>>) dst(%arg7 : memref<16x2048xf32, #tpu.memory_space<vmem>>)
    %add3A_12 = arith.constant 0 : i32
    %add3A_13 = arith.addi %mul3A_2, %add3A_12 : i32
    "tpu.region"() ({
      %run_scoped3A = tpu.sem_alloc : memref<!tpu.dma_semaphore, #tpu.memory_space<semaphore_mem>>
      %dma_start3A_39 = arith.constant 0 : i32
      %dma_start3A_40 = tpu.memref_slice %arg4[%add3A_13, %dma_start3A_39] : memref<2048x2048xf32, #tpu.memory_space<hbm>> -> memref<16x2048xf32, #tpu.memory_space<hbm>>
      %dma_start3A_41 = arith.constant 0 : i32
      %dma_start3A_42 = tpu.memref_slice %arg4[%add3A_13, %dma_start3A_41] : memref<2048x2048xf32, #tpu.memory_space<hbm>> -> memref<16x2048xf32, #tpu.memory_space<hbm>>
      tpu.enqueue_dma source(%arg7 : memref<16x2048xf32, #tpu.memory_space<vmem>>) target(%dma_start3A_42 : memref<16x2048xf32, #tpu.memory_space<hbm>>) target_semaphore(%run_scoped3A : memref<!tpu.dma_semaphore, #tpu.memory_space<semaphore_mem>>)
      %dma_wait3A_43 = arith.constant 0 : i32
      %dma_wait3A_44 = tpu.memref_slice %arg4[%add3A_13, %dma_wait3A_43] : memref<2048x2048xf32, #tpu.memory_space<hbm>> -> memref<16x2048xf32, #tpu.memory_space<hbm>>
      %dma_wait3A_45 = arith.constant 0 : i32
      %dma_wait3A_46 = tpu.memref_slice %arg4[%add3A_13, %dma_wait3A_45] : memref<2048x2048xf32, #tpu.memory_space<hbm>> -> memref<16x2048xf32, #tpu.memory_space<hbm>>
      tpu.wait_dma2 semaphore(%run_scoped3A : memref<!tpu.dma_semaphore, #tpu.memory_space<semaphore_mem>>) src(%arg7 : memref<16x2048xf32, #tpu.memory_space<vmem>>) dst(%dma_wait3A_46 : memref<16x2048xf32, #tpu.memory_space<hbm>>)
      tpu.yield
    }) : () -> ()
    %add3A_14 = arith.constant 32 : i32
    %add3A_15 = arith.addi %mul3A_2, %add3A_14 : i32
    "tpu.region"() ({
      %run_scoped3A = tpu.sem_alloc : memref<!tpu.dma_semaphore, #tpu.memory_space<semaphore_mem>>
      %dma_start3A_39 = tpu.memref_slice %arg3[%add3A_15] : memref<2048xi32, #tpu.memory_space<hbm>> -> memref<16xi32, #tpu.memory_space<hbm>>
      %dma_start3A_40 = tpu.memref_slice %arg3[%add3A_15] : memref<2048xi32, #tpu.memory_space<hbm>> -> memref<16xi32, #tpu.memory_space<hbm>>
      tpu.enqueue_dma source(%dma_start3A_40 : memref<16xi32, #tpu.memory_space<hbm>>) target(%arg5 : memref<16xi32, #tpu.memory_space<vmem>>) target_semaphore(%run_scoped3A : memref<!tpu.dma_semaphore, #tpu.memory_space<semaphore_mem>>)
      %dma_wait3A_41 = tpu.memref_slice %arg3[%add3A_15] : memref<2048xi32, #tpu.memory_space<hbm>> -> memref<16xi32, #tpu.memory_space<hbm>>
      %dma_wait3A_42 = tpu.memref_slice %arg3[%add3A_15] : memref<2048xi32, #tpu.memory_space<hbm>> -> memref<16xi32, #tpu.memory_space<hbm>>
      tpu.wait_dma2 semaphore(%run_scoped3A : memref<!tpu.dma_semaphore, #tpu.memory_space<semaphore_mem>>) src(%dma_wait3A_42 : memref<16xi32, #tpu.memory_space<hbm>>) dst(%arg5 : memref<16xi32, #tpu.memory_space<vmem>>)
      tpu.yield
    }) : () -> ()
    %dma_start3A_16 = arith.constant 0 : i32
    %dma_start3A_17 = arith.constant 0 : i32
    %dma_start3A_18 = tpu.memref_slice %arg2[%dma_start3A_16, %dma_start3A_17] : memref<2560x2048xf32, #tpu.memory_space<hbm>> -> memref<2560x2048xf32, #tpu.memory_space<hbm>>
    tpu.enqueue_indirect_dma source(%dma_start3A_18 : memref<2560x2048xf32, #tpu.memory_space<hbm>>) target(%arg7 : memref<16x2048xf32, #tpu.memory_space<vmem>>) offsets(%arg5 : memref<16xi32, #tpu.memory_space<vmem>>) semaphore(%arg9 : memref<!tpu.dma_semaphore, #tpu.memory_space<semaphore_mem>>)
    %dma_wait3A_19 = arith.constant 0 : i32
    %dma_wait3A_20 = arith.constant 0 : i32
    %dma_wait3A_21 = tpu.memref_slice %arg2[%dma_wait3A_19, %dma_wait3A_20] : memref<2560x2048xf32, #tpu.memory_space<hbm>> -> memref<2560x2048xf32, #tpu.memory_space<hbm>>
    tpu.wait_indirect_dma semaphore(%arg10 : memref<!tpu.dma_semaphore, #tpu.memory_space<semaphore_mem>>) src(%dma_wait3A_21 : memref<2560x2048xf32, #tpu.memory_space<hbm>>) dst(%arg8 : memref<16x2048xf32, #tpu.memory_space<vmem>>)
    %add3A_22 = arith.constant 16 : i32
    %add3A_23 = arith.addi %mul3A_2, %add3A_22 : i32
    "tpu.region"() ({
      %run_scoped3A = tpu.sem_alloc : memref<!tpu.dma_semaphore, #tpu.memory_space<semaphore_mem>>
      %dma_start3A_39 = arith.constant 0 : i32
      %dma_start3A_40 = tpu.memref_slice %arg4[%add3A_23, %dma_start3A_39] : memref<2048x2048xf32, #tpu.memory_space<hbm>> -> memref<16x2048xf32, #tpu.memory_space<hbm>>
      %dma_start3A_41 = arith.constant 0 : i32
      %dma_start3A_42 = tpu.memref_slice %arg4[%add3A_23, %dma_start3A_41] : memref<2048x2048xf32, #tpu.memory_space<hbm>> -> memref<16x2048xf32, #tpu.memory_space<hbm>>
      tpu.enqueue_dma source(%arg8 : memref<16x2048xf32, #tpu.memory_space<vmem>>) target(%dma_start3A_42 : memref<16x2048xf32, #tpu.memory_space<hbm>>) target_semaphore(%run_scoped3A : memref<!tpu.dma_semaphore, #tpu.memory_space<semaphore_mem>>)
      %dma_wait3A_43 = arith.constant 0 : i32
      %dma_wait3A_44 = tpu.memref_slice %arg4[%add3A_23, %dma_wait3A_43] : memref<2048x2048xf32, #tpu.memory_space<hbm>> -> memref<16x2048xf32, #tpu.memory_space<hbm>>
      %dma_wait3A_45 = arith.constant 0 : i32
      %dma_wait3A_46 = tpu.memref_slice %arg4[%add3A_23, %dma_wait3A_45] : memref<2048x2048xf32, #tpu.memory_space<hbm>> -> memref<16x2048xf32, #tpu.memory_space<hbm>>
      tpu.wait_dma2 semaphore(%run_scoped3A : memref<!tpu.dma_semaphore, #tpu.memory_space<semaphore_mem>>) src(%arg8 : memref<16x2048xf32, #tpu.memory_space<vmem>>) dst(%dma_wait3A_46 : memref<16x2048xf32, #tpu.memory_space<hbm>>)
      tpu.yield
    }) : () -> ()
    %add3A_24 = arith.constant 48 : i32
    %add3A_25 = arith.addi %mul3A_2, %add3A_24 : i32
    "tpu.region"() ({
      %run_scoped3A = tpu.sem_alloc : memref<!tpu.dma_semaphore, #tpu.memory_space<semaphore_mem>>
      %dma_start3A_39 = tpu.memref_slice %arg3[%add3A_25] : memref<2048xi32, #tpu.memory_space<hbm>> -> memref<16xi32, #tpu.memory_space<hbm>>
      %dma_start3A_40 = tpu.memref_slice %arg3[%add3A_25] : memref<2048xi32, #tpu.memory_space<hbm>> -> memref<16xi32, #tpu.memory_space<hbm>>
      tpu.enqueue_dma source(%dma_start3A_40 : memref<16xi32, #tpu.memory_space<hbm>>) target(%arg6 : memref<16xi32, #tpu.memory_space<vmem>>) target_semaphore(%run_scoped3A : memref<!tpu.dma_semaphore, #tpu.memory_space<semaphore_mem>>)
      %dma_wait3A_41 = tpu.memref_slice %arg3[%add3A_25] : memref<2048xi32, #tpu.memory_space<hbm>> -> memref<16xi32, #tpu.memory_space<hbm>>
      %dma_wait3A_42 = tpu.memref_slice %arg3[%add3A_25] : memref<2048xi32, #tpu.memory_space<hbm>> -> memref<16xi32, #tpu.memory_space<hbm>>
      tpu.wait_dma2 semaphore(%run_scoped3A : memref<!tpu.dma_semaphore, #tpu.memory_space<semaphore_mem>>) src(%dma_wait3A_42 : memref<16xi32, #tpu.memory_space<hbm>>) dst(%arg6 : memref<16xi32, #tpu.memory_space<vmem>>)
      tpu.yield
    }) : () -> ()
    %dma_start3A_26 = arith.constant 0 : i32
    %dma_start3A_27 = arith.constant 0 : i32
    %dma_start3A_28 = tpu.memref_slice %arg2[%dma_start3A_26, %dma_start3A_27] : memref<2560x2048xf32, #tpu.memory_space<hbm>> -> memref<2560x2048xf32, #tpu.memory_space<hbm>>
    tpu.enqueue_indirect_dma source(%dma_start3A_28 : memref<2560x2048xf32, #tpu.memory_space<hbm>>) target(%arg8 : memref<16x2048xf32, #tpu.memory_space<vmem>>) offsets(%arg6 : memref<16xi32, #tpu.memory_space<vmem>>) semaphore(%arg10 : memref<!tpu.dma_semaphore, #tpu.memory_space<semaphore_mem>>)
    %dma_wait3A_29 = arith.constant 0 : i32
    %dma_wait3A_30 = arith.constant 0 : i32
    %dma_wait3A_31 = tpu.memref_slice %arg2[%dma_wait3A_29, %dma_wait3A_30] : memref<2560x2048xf32, #tpu.memory_space<hbm>> -> memref<2560x2048xf32, #tpu.memory_space<hbm>>
    tpu.wait_indirect_dma semaphore(%arg9 : memref<!tpu.dma_semaphore, #tpu.memory_space<semaphore_mem>>) src(%dma_wait3A_31 : memref<2560x2048xf32, #tpu.memory_space<hbm>>) dst(%arg7 : memref<16x2048xf32, #tpu.memory_space<vmem>>)
    %add3A_32 = arith.constant 32 : i32
    %add3A_33 = arith.addi %mul3A_2, %add3A_32 : i32
    "tpu.region"() ({
      %run_scoped3A = tpu.sem_alloc : memref<!tpu.dma_semaphore, #tpu.memory_space<semaphore_mem>>
      %dma_start3A_39 = arith.constant 0 : i32
      %dma_start3A_40 = tpu.memref_slice %arg4[%add3A_33, %dma_start3A_39] : memref<2048x2048xf32, #tpu.memory_space<hbm>> -> memref<16x2048xf32, #tpu.memory_space<hbm>>
      %dma_start3A_41 = arith.constant 0 : i32
      %dma_start3A_42 = tpu.memref_slice %arg4[%add3A_33, %dma_start3A_41] : memref<2048x2048xf32, #tpu.memory_space<hbm>> -> memref<16x2048xf32, #tpu.memory_space<hbm>>
      tpu.enqueue_dma source(%arg7 : memref<16x2048xf32, #tpu.memory_space<vmem>>) target(%dma_start3A_42 : memref<16x2048xf32, #tpu.memory_space<hbm>>) target_semaphore(%run_scoped3A : memref<!tpu.dma_semaphore, #tpu.memory_space<semaphore_mem>>)
      %dma_wait3A_43 = arith.constant 0 : i32
      %dma_wait3A_44 = tpu.memref_slice %arg4[%add3A_33, %dma_wait3A_43] : memref<2048x2048xf32, #tpu.memory_space<hbm>> -> memref<16x2048xf32, #tpu.memory_space<hbm>>
      %dma_wait3A_45 = arith.constant 0 : i32
      %dma_wait3A_46 = tpu.memref_slice %arg4[%add3A_33, %dma_wait3A_45] : memref<2048x2048xf32, #tpu.memory_space<hbm>> -> memref<16x2048xf32, #tpu.memory_space<hbm>>
      tpu.wait_dma2 semaphore(%run_scoped3A : memref<!tpu.dma_semaphore, #tpu.memory_space<semaphore_mem>>) src(%arg7 : memref<16x2048xf32, #tpu.memory_space<vmem>>) dst(%dma_wait3A_46 : memref<16x2048xf32, #tpu.memory_space<hbm>>)
      tpu.yield
    }) : () -> ()
    %dma_wait3A_34 = arith.constant 0 : i32
    %dma_wait3A_35 = arith.constant 0 : i32
    %dma_wait3A_36 = tpu.memref_slice %arg2[%dma_wait3A_34, %dma_wait3A_35] : memref<2560x2048xf32, #tpu.memory_space<hbm>> -> memref<2560x2048xf32, #tpu.memory_space<hbm>>
    tpu.wait_indirect_dma semaphore(%arg10 : memref<!tpu.dma_semaphore, #tpu.memory_space<semaphore_mem>>) src(%dma_wait3A_36 : memref<2560x2048xf32, #tpu.memory_space<hbm>>) dst(%arg8 : memref<16x2048xf32, #tpu.memory_space<vmem>>)
    %add3A_37 = arith.constant 48 : i32
    %add3A_38 = arith.addi %mul3A_2, %add3A_37 : i32
    "tpu.region"() ({
      %run_scoped3A = tpu.sem_alloc : memref<!tpu.dma_semaphore, #tpu.memory_space<semaphore_mem>>
      %dma_start3A_39 = arith.constant 0 : i32
      %dma_start3A_40 = tpu.memref_slice %arg4[%add3A_38, %dma_start3A_39] : memref<2048x2048xf32, #tpu.memory_space<hbm>> -> memref<16x2048xf32, #tpu.memory_space<hbm>>
      %dma_start3A_41 = arith.constant 0 : i32
      %dma_start3A_42 = tpu.memref_slice %arg4[%add3A_38, %dma_start3A_41] : memref<2048x2048xf32, #tpu.memory_space<hbm>> -> memref<16x2048xf32, #tpu.memory_space<hbm>>
      tpu.enqueue_dma source(%arg8 : memref<16x2048xf32, #tpu.memory_space<vmem>>) target(%dma_start3A_42 : memref<16x2048xf32, #tpu.memory_space<hbm>>) target_semaphore(%run_scoped3A : memref<!tpu.dma_semaphore, #tpu.memory_space<semaphore_mem>>)
      %dma_wait3A_43 = arith.constant 0 : i32
      %dma_wait3A_44 = tpu.memref_slice %arg4[%add3A_38, %dma_wait3A_43] : memref<2048x2048xf32, #tpu.memory_space<hbm>> -> memref<16x2048xf32, #tpu.memory_space<hbm>>
      %dma_wait3A_45 = arith.constant 0 : i32
      %dma_wait3A_46 = tpu.memref_slice %arg4[%add3A_38, %dma_wait3A_45] : memref<2048x2048xf32, #tpu.memory_space<hbm>> -> memref<16x2048xf32, #tpu.memory_space<hbm>>
      tpu.wait_dma2 semaphore(%run_scoped3A : memref<!tpu.dma_semaphore, #tpu.memory_space<semaphore_mem>>) src(%arg8 : memref<16x2048xf32, #tpu.memory_space<vmem>>) dst(%dma_wait3A_46 : memref<16x2048xf32, #tpu.memory_space<hbm>>)
      tpu.yield
    }) : () -> ()
    return
  }
}

module attributes {stable_mosaic.version = 14 : i64} {
  func.func @_gateup_body(%arg0: i32, %arg1: i32, %arg2: memref<64xi32, #tpu.memory_space<smem>>, %arg3: memref<64xi32, #tpu.memory_space<smem>>, %arg4: memref<2560x2048xf32, #tpu.memory_space<vmem>>, %arg5: memref<2560x1xf32, #tpu.memory_space<vmem>>, %arg6: memref<4x256x2048xf32, #tpu.memory_space<vmem>>, %arg7: memref<4x256x2048xf32, #tpu.memory_space<vmem>>, %arg8: memref<2560x256xbf16, #tpu.memory_space<vmem>>) attributes {dimension_semantics = [#tpu.dimension_semantics<arbitrary>, #tpu.dimension_semantics<arbitrary>], iteration_bounds = array<i64: 8, 16>, scalar_prefetch = 2 : i64, scratch_operands = 0 : i64, tpu.core_type = #tpu.core_type<tc>, window_params = [{pipeline_mode = #tpu.pipeline_mode<synchronous>, transform_indices = @transform_0, window_bounds = array<i64: 2560, 2048>}, {pipeline_mode = #tpu.pipeline_mode<synchronous>, transform_indices = @transform_1, window_bounds = array<i64: 2560, 1>}, {transform_indices = @transform_2, window_bounds = array<i64: 4, 256, 2048>}, {transform_indices = @transform_3, window_bounds = array<i64: 4, 256, 2048>}, {transform_indices = @transform_4, window_bounds = array<i64: 2560, 256>}]} {
    %mul3A = arith.constant 4 : i32
    %mul3A_0 = arith.muli %arg1, %mul3A : i32
    %add3A = arith.constant 0 : i32
    %add3A_1 = arith.addi %mul3A_0, %add3A : i32
    %get3A = arith.index_cast %add3A_1 : i32 to index
    %get3A_2 = memref.load %arg2[%get3A] : memref<64xi32, #tpu.memory_space<smem>>
    %get3A_3 = arith.index_cast %add3A_1 : i32 to index
    %get3A_4 = memref.load %arg3[%get3A_3] : memref<64xi32, #tpu.memory_space<smem>>
    %add3A_5 = arith.constant 64 : i32
    %add3A_6 = arith.addi %get3A_4, %add3A_5 : i32
    %sub3A = arith.constant 1 : i32
    %sub3A_7 = arith.subi %add3A_6, %sub3A : i32
    %jit3A = arith.constant 64 : i32
    %div3A = arith.divsi %sub3A_7, %jit3A : i32
    %sign3A = arith.constant 0 : i32
    %sign3A_8 = arith.cmpi sgt, %sub3A_7, %sign3A : i32
    %sign3A_9 = arith.extui %sign3A_8 : i1 to i32
    %sign3A_10 = arith.constant 0 : i32
    %sign3A_11 = arith.cmpi slt, %sub3A_7, %sign3A_10 : i32
    %sign3A_12 = arith.extui %sign3A_11 : i1 to i32
    %sign3A_13 = arith.subi %sign3A_9, %sign3A_12 : i32
    %sign3A_14 = arith.constant 0 : i32
    %sign3A_15 = arith.cmpi sgt, %jit3A, %sign3A_14 : i32
    %sign3A_16 = arith.extui %sign3A_15 : i1 to i32
    %sign3A_17 = arith.constant 0 : i32
    %sign3A_18 = arith.cmpi slt, %jit3A, %sign3A_17 : i32
    %sign3A_19 = arith.extui %sign3A_18 : i1 to i32
    %sign3A_20 = arith.subi %sign3A_16, %sign3A_19 : i32
    %ne3A = arith.cmpi ne, %sign3A_13, %sign3A_20 : i32
    %rem3A = arith.remsi %sub3A_7, %jit3A : i32
    %ne3A_21 = arith.constant 0 : i32
    %ne3A_22 = arith.cmpi ne, %rem3A, %ne3A_21 : i32
    %and3A = arith.andi %ne3A, %ne3A_22 : i1
    %sub3A_23 = arith.constant 1 : i32
    %sub3A_24 = arith.subi %div3A, %sub3A_23 : i32
    %select_n3A = arith.select %and3A, %sub3A_24, %div3A : i32
    %get3A_25 = arith.constant 0 : index
    %get3A_26 = arith.constant 0 : index
    %get3A_27 = arith.constant 0 : index
    %get3A_28 = vector.load %arg6[%get3A_25, %get3A_26, %get3A_27] : memref<4x256x2048xf32, #tpu.memory_space<vmem>>, vector<1x256x2048xf32>
    %get3A_29 = vector.shape_cast %get3A_28 : vector<1x256x2048xf32> to vector<256x2048xf32>
    %get3A_30 = arith.constant 0 : index
    %get3A_31 = arith.constant 0 : index
    %get3A_32 = arith.constant 0 : index
    %get3A_33 = vector.load %arg7[%get3A_30, %get3A_31, %get3A_32] : memref<4x256x2048xf32, #tpu.memory_space<vmem>>, vector<1x256x2048xf32>
    %get3A_34 = vector.shape_cast %get3A_33 : vector<1x256x2048xf32> to vector<256x2048xf32>
    %while3A = arith.constant 0 : i32
    %while3A_35 = arith.constant 0 : i32
    %while3A_36 = arith.subi %select_n3A, %while3A_35 : i32
    %while3A_37 = arith.addi %while3A_35, %while3A_36 : i32
    %while3A_38 = arith.constant 1 : i32
    %while3A_39 = arith.divsi %while3A_36, %while3A_38 : i32
    %while3A_40 = arith.muli %while3A_39, %while3A_38 : i32
    %while3A_41 = arith.addi %while3A_35, %while3A_40 : i32
    %while3A_42 = arith.constant 1 : i32
    scf.for %while3A_212 = %while3A_35 to %while3A_41 step %while3A_42  : i32 {
      %mul3A_213 = arith.constant 64 : i32
      %mul3A_214 = arith.muli %while3A_212, %mul3A_213 : i32
      %add3A_215 = arith.addi %get3A_2, %mul3A_214 : i32
      %min3A = arith.constant 2496 : i32
      %min3A_216 = arith.minsi %add3A_215, %min3A : i32
      %multiple_of3A = tpu.assume_multiple %min3A_216, 8 : i32
      %get3A_217 = arith.index_cast %multiple_of3A : i32 to index
      %get3A_218 = arith.constant 0 : index
      %get3A_219 = vector.load %arg4[%get3A_217, %get3A_218] : memref<2560x2048xf32, #tpu.memory_space<vmem>>, vector<64x2048xf32>
      %transpose3A = tpu.transpose %get3A_219, [1, 0] : vector<64x2048xf32> -> vector<2048x64xf32>
      %dot_general3A = arith.constant dense<0.000000e+00> : vector<256x64xf32>
      %dot_general3A_220 = tpu.matmul %get3A_29, %transpose3A, %dot_general3A {dimension_numbers = #tpu.dot_dimension_numbers<[1], [0], [0], [1], [0, 0, 1, 1], [], []>, transpose_lhs_hint = false} : vector<256x2048xf32>, vector<2048x64xf32>, vector<256x64xf32> -> vector<256x64xf32>
      %dot_general3A_221 = arith.constant dense<0.000000e+00> : vector<256x64xf32>
      %dot_general3A_222 = tpu.matmul %get3A_34, %transpose3A, %dot_general3A_221 {dimension_numbers = #tpu.dot_dimension_numbers<[1], [0], [0], [1], [0, 0, 1, 1], [], []>, transpose_lhs_hint = false} : vector<256x2048xf32>, vector<2048x64xf32>, vector<256x64xf32> -> vector<256x64xf32>
      %logistic3A = arith.negf %dot_general3A_220 : vector<256x64xf32>
      %logistic3A_223 = math.exp %logistic3A : vector<256x64xf32>
      %logistic3A_224 = arith.constant 1.000000e+00 : f32
      %logistic3A_225 = vector.broadcast %logistic3A_224 : f32 to vector<256x64xf32>
      %logistic3A_226 = arith.addf %logistic3A_225, %logistic3A_223 : vector<256x64xf32>
      %logistic3A_227 = arith.divf %logistic3A_225, %logistic3A_226 : vector<256x64xf32>
      %mul3A_228 = arith.mulf %dot_general3A_220, %logistic3A_227 : vector<256x64xf32>
      %mul3A_229 = arith.mulf %mul3A_228, %dot_general3A_222 : vector<256x64xf32>
      %get3A_230 = arith.index_cast %multiple_of3A : i32 to index
      %get3A_231 = arith.constant 0 : index
      %get3A_232 = vector.load %arg5[%get3A_230, %get3A_231] : memref<2560x1xf32, #tpu.memory_space<vmem>>, vector<64x1xf32>
      %transpose3A_233 = tpu.transpose %mul3A_229, [1, 0] : vector<256x64xf32> -> vector<64x256xf32>
      %mul3A_234 = vector.broadcast %get3A_232 : vector<64x1xf32> to vector<64x256xf32>
      %mul3A_235 = arith.mulf %transpose3A_233, %mul3A_234 : vector<64x256xf32>
      %convert_element_type3A = arith.truncf %mul3A_235 : vector<64x256xf32> to vector<64x256xbf16>
      %swap3A = arith.index_cast %multiple_of3A : i32 to index
      %swap3A_236 = arith.constant 0 : index
      %swap3A_237 = vector.load %arg8[%swap3A, %swap3A_236] : memref<2560x256xbf16, #tpu.memory_space<vmem>>, vector<64x256xbf16>
      tpu.vector_store %arg8[%swap3A, %swap3A_236], %convert_element_type3A {strides = array<i32>} : memref<2560x256xbf16, #tpu.memory_space<vmem>>, vector<64x256xbf16>,
    }
    %while3A_43 = arith.constant 1 : i32
    scf.for %while3A_212 = %while3A_41 to %while3A_37 step %while3A_43  : i32 {
      %mul3A_213 = arith.constant 64 : i32
      %mul3A_214 = arith.muli %while3A_212, %mul3A_213 : i32
      %add3A_215 = arith.addi %get3A_2, %mul3A_214 : i32
      %min3A = arith.constant 2496 : i32
      %min3A_216 = arith.minsi %add3A_215, %min3A : i32
      %multiple_of3A = tpu.assume_multiple %min3A_216, 8 : i32
      %get3A_217 = arith.index_cast %multiple_of3A : i32 to index
      %get3A_218 = arith.constant 0 : index
      %get3A_219 = vector.load %arg4[%get3A_217, %get3A_218] : memref<2560x2048xf32, #tpu.memory_space<vmem>>, vector<64x2048xf32>
      %transpose3A = tpu.transpose %get3A_219, [1, 0] : vector<64x2048xf32> -> vector<2048x64xf32>
      %dot_general3A = arith.constant dense<0.000000e+00> : vector<256x64xf32>
      %dot_general3A_220 = tpu.matmul %get3A_29, %transpose3A, %dot_general3A {dimension_numbers = #tpu.dot_dimension_numbers<[1], [0], [0], [1], [0, 0, 1, 1], [], []>, transpose_lhs_hint = false} : vector<256x2048xf32>, vector<2048x64xf32>, vector<256x64xf32> -> vector<256x64xf32>
      %dot_general3A_221 = arith.constant dense<0.000000e+00> : vector<256x64xf32>
      %dot_general3A_222 = tpu.matmul %get3A_34, %transpose3A, %dot_general3A_221 {dimension_numbers = #tpu.dot_dimension_numbers<[1], [0], [0], [1], [0, 0, 1, 1], [], []>, transpose_lhs_hint = false} : vector<256x2048xf32>, vector<2048x64xf32>, vector<256x64xf32> -> vector<256x64xf32>
      %logistic3A = arith.negf %dot_general3A_220 : vector<256x64xf32>
      %logistic3A_223 = math.exp %logistic3A : vector<256x64xf32>
      %logistic3A_224 = arith.constant 1.000000e+00 : f32
      %logistic3A_225 = vector.broadcast %logistic3A_224 : f32 to vector<256x64xf32>
      %logistic3A_226 = arith.addf %logistic3A_225, %logistic3A_223 : vector<256x64xf32>
      %logistic3A_227 = arith.divf %logistic3A_225, %logistic3A_226 : vector<256x64xf32>
      %mul3A_228 = arith.mulf %dot_general3A_220, %logistic3A_227 : vector<256x64xf32>
      %mul3A_229 = arith.mulf %mul3A_228, %dot_general3A_222 : vector<256x64xf32>
      %get3A_230 = arith.index_cast %multiple_of3A : i32 to index
      %get3A_231 = arith.constant 0 : index
      %get3A_232 = vector.load %arg5[%get3A_230, %get3A_231] : memref<2560x1xf32, #tpu.memory_space<vmem>>, vector<64x1xf32>
      %transpose3A_233 = tpu.transpose %mul3A_229, [1, 0] : vector<256x64xf32> -> vector<64x256xf32>
      %mul3A_234 = vector.broadcast %get3A_232 : vector<64x1xf32> to vector<64x256xf32>
      %mul3A_235 = arith.mulf %transpose3A_233, %mul3A_234 : vector<64x256xf32>
      %convert_element_type3A = arith.truncf %mul3A_235 : vector<64x256xf32> to vector<64x256xbf16>
      %swap3A = arith.index_cast %multiple_of3A : i32 to index
      %swap3A_236 = arith.constant 0 : index
      %swap3A_237 = vector.load %arg8[%swap3A, %swap3A_236] : memref<2560x256xbf16, #tpu.memory_space<vmem>>, vector<64x256xbf16>
      tpu.vector_store %arg8[%swap3A, %swap3A_236], %convert_element_type3A {strides = array<i32>} : memref<2560x256xbf16, #tpu.memory_space<vmem>>, vector<64x256xbf16>,
    }
    %mul3A_44 = arith.constant 4 : i32
    %mul3A_45 = arith.muli %arg1, %mul3A_44 : i32
    %add3A_46 = arith.constant 1 : i32
    %add3A_47 = arith.addi %mul3A_45, %add3A_46 : i32
    %get3A_48 = arith.index_cast %add3A_47 : i32 to index
    %get3A_49 = memref.load %arg2[%get3A_48] : memref<64xi32, #tpu.memory_space<smem>>
    %get3A_50 = arith.index_cast %add3A_47 : i32 to index
    %get3A_51 = memref.load %arg3[%get3A_50] : memref<64xi32, #tpu.memory_space<smem>>
    %add3A_52 = arith.constant 64 : i32
    %add3A_53 = arith.addi %get3A_51, %add3A_52 : i32
    %sub3A_54 = arith.constant 1 : i32
    %sub3A_55 = arith.subi %add3A_53, %sub3A_54 : i32
    %jit3A_56 = arith.constant 64 : i32
    %div3A_57 = arith.divsi %sub3A_55, %jit3A_56 : i32
    %sign3A_58 = arith.constant 0 : i32
    %sign3A_59 = arith.cmpi sgt, %sub3A_55, %sign3A_58 : i32
    %sign3A_60 = arith.extui %sign3A_59 : i1 to i32
    %sign3A_61 = arith.constant 0 : i32
    %sign3A_62 = arith.cmpi slt, %sub3A_55, %sign3A_61 : i32
    %sign3A_63 = arith.extui %sign3A_62 : i1 to i32
    %sign3A_64 = arith.subi %sign3A_60, %sign3A_63 : i32
    %sign3A_65 = arith.constant 0 : i32
    %sign3A_66 = arith.cmpi sgt, %jit3A_56, %sign3A_65 : i32
    %sign3A_67 = arith.extui %sign3A_66 : i1 to i32
    %sign3A_68 = arith.constant 0 : i32
    %sign3A_69 = arith.cmpi slt, %jit3A_56, %sign3A_68 : i32
    %sign3A_70 = arith.extui %sign3A_69 : i1 to i32
    %sign3A_71 = arith.subi %sign3A_67, %sign3A_70 : i32
    %ne3A_72 = arith.cmpi ne, %sign3A_64, %sign3A_71 : i32
    %rem3A_73 = arith.remsi %sub3A_55, %jit3A_56 : i32
    %ne3A_74 = arith.constant 0 : i32
    %ne3A_75 = arith.cmpi ne, %rem3A_73, %ne3A_74 : i32
    %and3A_76 = arith.andi %ne3A_72, %ne3A_75 : i1
    %sub3A_77 = arith.constant 1 : i32
    %sub3A_78 = arith.subi %div3A_57, %sub3A_77 : i32
    %select_n3A_79 = arith.select %and3A_76, %sub3A_78, %div3A_57 : i32
    %get3A_80 = arith.constant 1 : index
    %get3A_81 = arith.constant 0 : index
    %get3A_82 = arith.constant 0 : index
    %get3A_83 = vector.load %arg6[%get3A_80, %get3A_81, %get3A_82] : memref<4x256x2048xf32, #tpu.memory_space<vmem>>, vector<1x256x2048xf32>
    %get3A_84 = vector.shape_cast %get3A_83 : vector<1x256x2048xf32> to vector<256x2048xf32>
    %get3A_85 = arith.constant 1 : index
    %get3A_86 = arith.constant 0 : index
    %get3A_87 = arith.constant 0 : index
    %get3A_88 = vector.load %arg7[%get3A_85, %get3A_86, %get3A_87] : memref<4x256x2048xf32, #tpu.memory_space<vmem>>, vector<1x256x2048xf32>
    %get3A_89 = vector.shape_cast %get3A_88 : vector<1x256x2048xf32> to vector<256x2048xf32>
    %while3A_90 = arith.constant 0 : i32
    %while3A_91 = arith.constant 0 : i32
    %while3A_92 = arith.subi %select_n3A_79, %while3A_91 : i32
    %while3A_93 = arith.addi %while3A_91, %while3A_92 : i32
    %while3A_94 = arith.constant 1 : i32
    %while3A_95 = arith.divsi %while3A_92, %while3A_94 : i32
    %while3A_96 = arith.muli %while3A_95, %while3A_94 : i32
    %while3A_97 = arith.addi %while3A_91, %while3A_96 : i32
    %while3A_98 = arith.constant 1 : i32
    scf.for %while3A_212 = %while3A_91 to %while3A_97 step %while3A_98  : i32 {
      %mul3A_213 = arith.constant 64 : i32
      %mul3A_214 = arith.muli %while3A_212, %mul3A_213 : i32
      %add3A_215 = arith.addi %get3A_49, %mul3A_214 : i32
      %min3A = arith.constant 2496 : i32
      %min3A_216 = arith.minsi %add3A_215, %min3A : i32
      %multiple_of3A = tpu.assume_multiple %min3A_216, 8 : i32
      %get3A_217 = arith.index_cast %multiple_of3A : i32 to index
      %get3A_218 = arith.constant 0 : index
      %get3A_219 = vector.load %arg4[%get3A_217, %get3A_218] : memref<2560x2048xf32, #tpu.memory_space<vmem>>, vector<64x2048xf32>
      %transpose3A = tpu.transpose %get3A_219, [1, 0] : vector<64x2048xf32> -> vector<2048x64xf32>
      %dot_general3A = arith.constant dense<0.000000e+00> : vector<256x64xf32>
      %dot_general3A_220 = tpu.matmul %get3A_84, %transpose3A, %dot_general3A {dimension_numbers = #tpu.dot_dimension_numbers<[1], [0], [0], [1], [0, 0, 1, 1], [], []>, transpose_lhs_hint = false} : vector<256x2048xf32>, vector<2048x64xf32>, vector<256x64xf32> -> vector<256x64xf32>
      %dot_general3A_221 = arith.constant dense<0.000000e+00> : vector<256x64xf32>
      %dot_general3A_222 = tpu.matmul %get3A_89, %transpose3A, %dot_general3A_221 {dimension_numbers = #tpu.dot_dimension_numbers<[1], [0], [0], [1], [0, 0, 1, 1], [], []>, transpose_lhs_hint = false} : vector<256x2048xf32>, vector<2048x64xf32>, vector<256x64xf32> -> vector<256x64xf32>
      %logistic3A = arith.negf %dot_general3A_220 : vector<256x64xf32>
      %logistic3A_223 = math.exp %logistic3A : vector<256x64xf32>
      %logistic3A_224 = arith.constant 1.000000e+00 : f32
      %logistic3A_225 = vector.broadcast %logistic3A_224 : f32 to vector<256x64xf32>
      %logistic3A_226 = arith.addf %logistic3A_225, %logistic3A_223 : vector<256x64xf32>
      %logistic3A_227 = arith.divf %logistic3A_225, %logistic3A_226 : vector<256x64xf32>
      %mul3A_228 = arith.mulf %dot_general3A_220, %logistic3A_227 : vector<256x64xf32>
      %mul3A_229 = arith.mulf %mul3A_228, %dot_general3A_222 : vector<256x64xf32>
      %get3A_230 = arith.index_cast %multiple_of3A : i32 to index
      %get3A_231 = arith.constant 0 : index
      %get3A_232 = vector.load %arg5[%get3A_230, %get3A_231] : memref<2560x1xf32, #tpu.memory_space<vmem>>, vector<64x1xf32>
      %transpose3A_233 = tpu.transpose %mul3A_229, [1, 0] : vector<256x64xf32> -> vector<64x256xf32>
      %mul3A_234 = vector.broadcast %get3A_232 : vector<64x1xf32> to vector<64x256xf32>
      %mul3A_235 = arith.mulf %transpose3A_233, %mul3A_234 : vector<64x256xf32>
      %convert_element_type3A = arith.truncf %mul3A_235 : vector<64x256xf32> to vector<64x256xbf16>
      %swap3A = arith.index_cast %multiple_of3A : i32 to index
      %swap3A_236 = arith.constant 0 : index
      %swap3A_237 = vector.load %arg8[%swap3A, %swap3A_236] : memref<2560x256xbf16, #tpu.memory_space<vmem>>, vector<64x256xbf16>
      tpu.vector_store %arg8[%swap3A, %swap3A_236], %convert_element_type3A {strides = array<i32>} : memref<2560x256xbf16, #tpu.memory_space<vmem>>, vector<64x256xbf16>,
    }
    %while3A_99 = arith.constant 1 : i32
    scf.for %while3A_212 = %while3A_97 to %while3A_93 step %while3A_99  : i32 {
      %mul3A_213 = arith.constant 64 : i32
      %mul3A_214 = arith.muli %while3A_212, %mul3A_213 : i32
      %add3A_215 = arith.addi %get3A_49, %mul3A_214 : i32
      %min3A = arith.constant 2496 : i32
      %min3A_216 = arith.minsi %add3A_215, %min3A : i32
      %multiple_of3A = tpu.assume_multiple %min3A_216, 8 : i32
      %get3A_217 = arith.index_cast %multiple_of3A : i32 to index
      %get3A_218 = arith.constant 0 : index
      %get3A_219 = vector.load %arg4[%get3A_217, %get3A_218] : memref<2560x2048xf32, #tpu.memory_space<vmem>>, vector<64x2048xf32>
      %transpose3A = tpu.transpose %get3A_219, [1, 0] : vector<64x2048xf32> -> vector<2048x64xf32>
      %dot_general3A = arith.constant dense<0.000000e+00> : vector<256x64xf32>
      %dot_general3A_220 = tpu.matmul %get3A_84, %transpose3A, %dot_general3A {dimension_numbers = #tpu.dot_dimension_numbers<[1], [0], [0], [1], [0, 0, 1, 1], [], []>, transpose_lhs_hint = false} : vector<256x2048xf32>, vector<2048x64xf32>, vector<256x64xf32> -> vector<256x64xf32>
      %dot_general3A_221 = arith.constant dense<0.000000e+00> : vector<256x64xf32>
      %dot_general3A_222 = tpu.matmul %get3A_89, %transpose3A, %dot_general3A_221 {dimension_numbers = #tpu.dot_dimension_numbers<[1], [0], [0], [1], [0, 0, 1, 1], [], []>, transpose_lhs_hint = false} : vector<256x2048xf32>, vector<2048x64xf32>, vector<256x64xf32> -> vector<256x64xf32>
      %logistic3A = arith.negf %dot_general3A_220 : vector<256x64xf32>
      %logistic3A_223 = math.exp %logistic3A : vector<256x64xf32>
      %logistic3A_224 = arith.constant 1.000000e+00 : f32
      %logistic3A_225 = vector.broadcast %logistic3A_224 : f32 to vector<256x64xf32>
      %logistic3A_226 = arith.addf %logistic3A_225, %logistic3A_223 : vector<256x64xf32>
      %logistic3A_227 = arith.divf %logistic3A_225, %logistic3A_226 : vector<256x64xf32>
      %mul3A_228 = arith.mulf %dot_general3A_220, %logistic3A_227 : vector<256x64xf32>
      %mul3A_229 = arith.mulf %mul3A_228, %dot_general3A_222 : vector<256x64xf32>
      %get3A_230 = arith.index_cast %multiple_of3A : i32 to index
      %get3A_231 = arith.constant 0 : index
      %get3A_232 = vector.load %arg5[%get3A_230, %get3A_231] : memref<2560x1xf32, #tpu.memory_space<vmem>>, vector<64x1xf32>
      %transpose3A_233 = tpu.transpose %mul3A_229, [1, 0] : vector<256x64xf32> -> vector<64x256xf32>
      %mul3A_234 = vector.broadcast %get3A_232 : vector<64x1xf32> to vector<64x256xf32>
      %mul3A_235 = arith.mulf %transpose3A_233, %mul3A_234 : vector<64x256xf32>
      %convert_element_type3A = arith.truncf %mul3A_235 : vector<64x256xf32> to vector<64x256xbf16>
      %swap3A = arith.index_cast %multiple_of3A : i32 to index
      %swap3A_236 = arith.constant 0 : index
      %swap3A_237 = vector.load %arg8[%swap3A, %swap3A_236] : memref<2560x256xbf16, #tpu.memory_space<vmem>>, vector<64x256xbf16>
      tpu.vector_store %arg8[%swap3A, %swap3A_236], %convert_element_type3A {strides = array<i32>} : memref<2560x256xbf16, #tpu.memory_space<vmem>>, vector<64x256xbf16>,
    }
    %mul3A_100 = arith.constant 4 : i32
    %mul3A_101 = arith.muli %arg1, %mul3A_100 : i32
    %add3A_102 = arith.constant 2 : i32
    %add3A_103 = arith.addi %mul3A_101, %add3A_102 : i32
    %get3A_104 = arith.index_cast %add3A_103 : i32 to index
    %get3A_105 = memref.load %arg2[%get3A_104] : memref<64xi32, #tpu.memory_space<smem>>
    %get3A_106 = arith.index_cast %add3A_103 : i32 to index
    %get3A_107 = memref.load %arg3[%get3A_106] : memref<64xi32, #tpu.memory_space<smem>>
    %add3A_108 = arith.constant 64 : i32
    %add3A_109 = arith.addi %get3A_107, %add3A_108 : i32
    %sub3A_110 = arith.constant 1 : i32
    %sub3A_111 = arith.subi %add3A_109, %sub3A_110 : i32
    %jit3A_112 = arith.constant 64 : i32
    %div3A_113 = arith.divsi %sub3A_111, %jit3A_112 : i32
    %sign3A_114 = arith.constant 0 : i32
    %sign3A_115 = arith.cmpi sgt, %sub3A_111, %sign3A_114 : i32
    %sign3A_116 = arith.extui %sign3A_115 : i1 to i32
    %sign3A_117 = arith.constant 0 : i32
    %sign3A_118 = arith.cmpi slt, %sub3A_111, %sign3A_117 : i32
    %sign3A_119 = arith.extui %sign3A_118 : i1 to i32
    %sign3A_120 = arith.subi %sign3A_116, %sign3A_119 : i32
    %sign3A_121 = arith.constant 0 : i32
    %sign3A_122 = arith.cmpi sgt, %jit3A_112, %sign3A_121 : i32
    %sign3A_123 = arith.extui %sign3A_122 : i1 to i32
    %sign3A_124 = arith.constant 0 : i32
    %sign3A_125 = arith.cmpi slt, %jit3A_112, %sign3A_124 : i32
    %sign3A_126 = arith.extui %sign3A_125 : i1 to i32
    %sign3A_127 = arith.subi %sign3A_123, %sign3A_126 : i32
    %ne3A_128 = arith.cmpi ne, %sign3A_120, %sign3A_127 : i32
    %rem3A_129 = arith.remsi %sub3A_111, %jit3A_112 : i32
    %ne3A_130 = arith.constant 0 : i32
    %ne3A_131 = arith.cmpi ne, %rem3A_129, %ne3A_130 : i32
    %and3A_132 = arith.andi %ne3A_128, %ne3A_131 : i1
    %sub3A_133 = arith.constant 1 : i32
    %sub3A_134 = arith.subi %div3A_113, %sub3A_133 : i32
    %select_n3A_135 = arith.select %and3A_132, %sub3A_134, %div3A_113 : i32
    %get3A_136 = arith.constant 2 : index
    %get3A_137 = arith.constant 0 : index
    %get3A_138 = arith.constant 0 : index
    %get3A_139 = vector.load %arg6[%get3A_136, %get3A_137, %get3A_138] : memref<4x256x2048xf32, #tpu.memory_space<vmem>>, vector<1x256x2048xf32>
    %get3A_140 = vector.shape_cast %get3A_139 : vector<1x256x2048xf32> to vector<256x2048xf32>
    %get3A_141 = arith.constant 2 : index
    %get3A_142 = arith.constant 0 : index
    %get3A_143 = arith.constant 0 : index
    %get3A_144 = vector.load %arg7[%get3A_141, %get3A_142, %get3A_143] : memref<4x256x2048xf32, #tpu.memory_space<vmem>>, vector<1x256x2048xf32>
    %get3A_145 = vector.shape_cast %get3A_144 : vector<1x256x2048xf32> to vector<256x2048xf32>
    %while3A_146 = arith.constant 0 : i32
    %while3A_147 = arith.constant 0 : i32
    %while3A_148 = arith.subi %select_n3A_135, %while3A_147 : i32
    %while3A_149 = arith.addi %while3A_147, %while3A_148 : i32
    %while3A_150 = arith.constant 1 : i32
    %while3A_151 = arith.divsi %while3A_148, %while3A_150 : i32
    %while3A_152 = arith.muli %while3A_151, %while3A_150 : i32
    %while3A_153 = arith.addi %while3A_147, %while3A_152 : i32
    %while3A_154 = arith.constant 1 : i32
    scf.for %while3A_212 = %while3A_147 to %while3A_153 step %while3A_154  : i32 {
      %mul3A_213 = arith.constant 64 : i32
      %mul3A_214 = arith.muli %while3A_212, %mul3A_213 : i32
      %add3A_215 = arith.addi %get3A_105, %mul3A_214 : i32
      %min3A = arith.constant 2496 : i32
      %min3A_216 = arith.minsi %add3A_215, %min3A : i32
      %multiple_of3A = tpu.assume_multiple %min3A_216, 8 : i32
      %get3A_217 = arith.index_cast %multiple_of3A : i32 to index
      %get3A_218 = arith.constant 0 : index
      %get3A_219 = vector.load %arg4[%get3A_217, %get3A_218] : memref<2560x2048xf32, #tpu.memory_space<vmem>>, vector<64x2048xf32>
      %transpose3A = tpu.transpose %get3A_219, [1, 0] : vector<64x2048xf32> -> vector<2048x64xf32>
      %dot_general3A = arith.constant dense<0.000000e+00> : vector<256x64xf32>
      %dot_general3A_220 = tpu.matmul %get3A_140, %transpose3A, %dot_general3A {dimension_numbers = #tpu.dot_dimension_numbers<[1], [0], [0], [1], [0, 0, 1, 1], [], []>, transpose_lhs_hint = false} : vector<256x2048xf32>, vector<2048x64xf32>, vector<256x64xf32> -> vector<256x64xf32>
      %dot_general3A_221 = arith.constant dense<0.000000e+00> : vector<256x64xf32>
      %dot_general3A_222 = tpu.matmul %get3A_145, %transpose3A, %dot_general3A_221 {dimension_numbers = #tpu.dot_dimension_numbers<[1], [0], [0], [1], [0, 0, 1, 1], [], []>, transpose_lhs_hint = false} : vector<256x2048xf32>, vector<2048x64xf32>, vector<256x64xf32> -> vector<256x64xf32>
      %logistic3A = arith.negf %dot_general3A_220 : vector<256x64xf32>
      %logistic3A_223 = math.exp %logistic3A : vector<256x64xf32>
      %logistic3A_224 = arith.constant 1.000000e+00 : f32
      %logistic3A_225 = vector.broadcast %logistic3A_224 : f32 to vector<256x64xf32>
      %logistic3A_226 = arith.addf %logistic3A_225, %logistic3A_223 : vector<256x64xf32>
      %logistic3A_227 = arith.divf %logistic3A_225, %logistic3A_226 : vector<256x64xf32>
      %mul3A_228 = arith.mulf %dot_general3A_220, %logistic3A_227 : vector<256x64xf32>
      %mul3A_229 = arith.mulf %mul3A_228, %dot_general3A_222 : vector<256x64xf32>
      %get3A_230 = arith.index_cast %multiple_of3A : i32 to index
      %get3A_231 = arith.constant 0 : index
      %get3A_232 = vector.load %arg5[%get3A_230, %get3A_231] : memref<2560x1xf32, #tpu.memory_space<vmem>>, vector<64x1xf32>
      %transpose3A_233 = tpu.transpose %mul3A_229, [1, 0] : vector<256x64xf32> -> vector<64x256xf32>
      %mul3A_234 = vector.broadcast %get3A_232 : vector<64x1xf32> to vector<64x256xf32>
      %mul3A_235 = arith.mulf %transpose3A_233, %mul3A_234 : vector<64x256xf32>
      %convert_element_type3A = arith.truncf %mul3A_235 : vector<64x256xf32> to vector<64x256xbf16>
      %swap3A = arith.index_cast %multiple_of3A : i32 to index
      %swap3A_236 = arith.constant 0 : index
      %swap3A_237 = vector.load %arg8[%swap3A, %swap3A_236] : memref<2560x256xbf16, #tpu.memory_space<vmem>>, vector<64x256xbf16>
      tpu.vector_store %arg8[%swap3A, %swap3A_236], %convert_element_type3A {strides = array<i32>} : memref<2560x256xbf16, #tpu.memory_space<vmem>>, vector<64x256xbf16>,
    }
    %while3A_155 = arith.constant 1 : i32
    scf.for %while3A_212 = %while3A_153 to %while3A_149 step %while3A_155  : i32 {
      %mul3A_213 = arith.constant 64 : i32
      %mul3A_214 = arith.muli %while3A_212, %mul3A_213 : i32
      %add3A_215 = arith.addi %get3A_105, %mul3A_214 : i32
      %min3A = arith.constant 2496 : i32
      %min3A_216 = arith.minsi %add3A_215, %min3A : i32
      %multiple_of3A = tpu.assume_multiple %min3A_216, 8 : i32
      %get3A_217 = arith.index_cast %multiple_of3A : i32 to index
      %get3A_218 = arith.constant 0 : index
      %get3A_219 = vector.load %arg4[%get3A_217, %get3A_218] : memref<2560x2048xf32, #tpu.memory_space<vmem>>, vector<64x2048xf32>
      %transpose3A = tpu.transpose %get3A_219, [1, 0] : vector<64x2048xf32> -> vector<2048x64xf32>
      %dot_general3A = arith.constant dense<0.000000e+00> : vector<256x64xf32>
      %dot_general3A_220 = tpu.matmul %get3A_140, %transpose3A, %dot_general3A {dimension_numbers = #tpu.dot_dimension_numbers<[1], [0], [0], [1], [0, 0, 1, 1], [], []>, transpose_lhs_hint = false} : vector<256x2048xf32>, vector<2048x64xf32>, vector<256x64xf32> -> vector<256x64xf32>
      %dot_general3A_221 = arith.constant dense<0.000000e+00> : vector<256x64xf32>
      %dot_general3A_222 = tpu.matmul %get3A_145, %transpose3A, %dot_general3A_221 {dimension_numbers = #tpu.dot_dimension_numbers<[1], [0], [0], [1], [0, 0, 1, 1], [], []>, transpose_lhs_hint = false} : vector<256x2048xf32>, vector<2048x64xf32>, vector<256x64xf32> -> vector<256x64xf32>
      %logistic3A = arith.negf %dot_general3A_220 : vector<256x64xf32>
      %logistic3A_223 = math.exp %logistic3A : vector<256x64xf32>
      %logistic3A_224 = arith.constant 1.000000e+00 : f32
      %logistic3A_225 = vector.broadcast %logistic3A_224 : f32 to vector<256x64xf32>
      %logistic3A_226 = arith.addf %logistic3A_225, %logistic3A_223 : vector<256x64xf32>
      %logistic3A_227 = arith.divf %logistic3A_225, %logistic3A_226 : vector<256x64xf32>
      %mul3A_228 = arith.mulf %dot_general3A_220, %logistic3A_227 : vector<256x64xf32>
      %mul3A_229 = arith.mulf %mul3A_228, %dot_general3A_222 : vector<256x64xf32>
      %get3A_230 = arith.index_cast %multiple_of3A : i32 to index
      %get3A_231 = arith.constant 0 : index
      %get3A_232 = vector.load %arg5[%get3A_230, %get3A_231] : memref<2560x1xf32, #tpu.memory_space<vmem>>, vector<64x1xf32>
      %transpose3A_233 = tpu.transpose %mul3A_229, [1, 0] : vector<256x64xf32> -> vector<64x256xf32>
      %mul3A_234 = vector.broadcast %get3A_232 : vector<64x1xf32> to vector<64x256xf32>
      %mul3A_235 = arith.mulf %transpose3A_233, %mul3A_234 : vector<64x256xf32>
      %convert_element_type3A = arith.truncf %mul3A_235 : vector<64x256xf32> to vector<64x256xbf16>
      %swap3A = arith.index_cast %multiple_of3A : i32 to index
      %swap3A_236 = arith.constant 0 : index
      %swap3A_237 = vector.load %arg8[%swap3A, %swap3A_236] : memref<2560x256xbf16, #tpu.memory_space<vmem>>, vector<64x256xbf16>
      tpu.vector_store %arg8[%swap3A, %swap3A_236], %convert_element_type3A {strides = array<i32>} : memref<2560x256xbf16, #tpu.memory_space<vmem>>, vector<64x256xbf16>,
    }
    %mul3A_156 = arith.constant 4 : i32
    %mul3A_157 = arith.muli %arg1, %mul3A_156 : i32
    %add3A_158 = arith.constant 3 : i32
    %add3A_159 = arith.addi %mul3A_157, %add3A_158 : i32
    %get3A_160 = arith.index_cast %add3A_159 : i32 to index
    %get3A_161 = memref.load %arg2[%get3A_160] : memref<64xi32, #tpu.memory_space<smem>>
    %get3A_162 = arith.index_cast %add3A_159 : i32 to index
    %get3A_163 = memref.load %arg3[%get3A_162] : memref<64xi32, #tpu.memory_space<smem>>
    %add3A_164 = arith.constant 64 : i32
    %add3A_165 = arith.addi %get3A_163, %add3A_164 : i32
    %sub3A_166 = arith.constant 1 : i32
    %sub3A_167 = arith.subi %add3A_165, %sub3A_166 : i32
    %jit3A_168 = arith.constant 64 : i32
    %div3A_169 = arith.divsi %sub3A_167, %jit3A_168 : i32
    %sign3A_170 = arith.constant 0 : i32
    %sign3A_171 = arith.cmpi sgt, %sub3A_167, %sign3A_170 : i32
    %sign3A_172 = arith.extui %sign3A_171 : i1 to i32
    %sign3A_173 = arith.constant 0 : i32
    %sign3A_174 = arith.cmpi slt, %sub3A_167, %sign3A_173 : i32
    %sign3A_175 = arith.extui %sign3A_174 : i1 to i32
    %sign3A_176 = arith.subi %sign3A_172, %sign3A_175 : i32
    %sign3A_177 = arith.constant 0 : i32
    %sign3A_178 = arith.cmpi sgt, %jit3A_168, %sign3A_177 : i32
    %sign3A_179 = arith.extui %sign3A_178 : i1 to i32
    %sign3A_180 = arith.constant 0 : i32
    %sign3A_181 = arith.cmpi slt, %jit3A_168, %sign3A_180 : i32
    %sign3A_182 = arith.extui %sign3A_181 : i1 to i32
    %sign3A_183 = arith.subi %sign3A_179, %sign3A_182 : i32
    %ne3A_184 = arith.cmpi ne, %sign3A_176, %sign3A_183 : i32
    %rem3A_185 = arith.remsi %sub3A_167, %jit3A_168 : i32
    %ne3A_186 = arith.constant 0 : i32
    %ne3A_187 = arith.cmpi ne, %rem3A_185, %ne3A_186 : i32
    %and3A_188 = arith.andi %ne3A_184, %ne3A_187 : i1
    %sub3A_189 = arith.constant 1 : i32
    %sub3A_190 = arith.subi %div3A_169, %sub3A_189 : i32
    %select_n3A_191 = arith.select %and3A_188, %sub3A_190, %div3A_169 : i32
    %get3A_192 = arith.constant 3 : index
    %get3A_193 = arith.constant 0 : index
    %get3A_194 = arith.constant 0 : index
    %get3A_195 = vector.load %arg6[%get3A_192, %get3A_193, %get3A_194] : memref<4x256x2048xf32, #tpu.memory_space<vmem>>, vector<1x256x2048xf32>
    %get3A_196 = vector.shape_cast %get3A_195 : vector<1x256x2048xf32> to vector<256x2048xf32>
    %get3A_197 = arith.constant 3 : index
    %get3A_198 = arith.constant 0 : index
    %get3A_199 = arith.constant 0 : index
    %get3A_200 = vector.load %arg7[%get3A_197, %get3A_198, %get3A_199] : memref<4x256x2048xf32, #tpu.memory_space<vmem>>, vector<1x256x2048xf32>
    %get3A_201 = vector.shape_cast %get3A_200 : vector<1x256x2048xf32> to vector<256x2048xf32>
    %while3A_202 = arith.constant 0 : i32
    %while3A_203 = arith.constant 0 : i32
    %while3A_204 = arith.subi %select_n3A_191, %while3A_203 : i32
    %while3A_205 = arith.addi %while3A_203, %while3A_204 : i32
    %while3A_206 = arith.constant 1 : i32
    %while3A_207 = arith.divsi %while3A_204, %while3A_206 : i32
    %while3A_208 = arith.muli %while3A_207, %while3A_206 : i32
    %while3A_209 = arith.addi %while3A_203, %while3A_208 : i32
    %while3A_210 = arith.constant 1 : i32
    scf.for %while3A_212 = %while3A_203 to %while3A_209 step %while3A_210  : i32 {
      %mul3A_213 = arith.constant 64 : i32
      %mul3A_214 = arith.muli %while3A_212, %mul3A_213 : i32
      %add3A_215 = arith.addi %get3A_161, %mul3A_214 : i32
      %min3A = arith.constant 2496 : i32
      %min3A_216 = arith.minsi %add3A_215, %min3A : i32
      %multiple_of3A = tpu.assume_multiple %min3A_216, 8 : i32
      %get3A_217 = arith.index_cast %multiple_of3A : i32 to index
      %get3A_218 = arith.constant 0 : index
      %get3A_219 = vector.load %arg4[%get3A_217, %get3A_218] : memref<2560x2048xf32, #tpu.memory_space<vmem>>, vector<64x2048xf32>
      %transpose3A = tpu.transpose %get3A_219, [1, 0] : vector<64x2048xf32> -> vector<2048x64xf32>
      %dot_general3A = arith.constant dense<0.000000e+00> : vector<256x64xf32>
      %dot_general3A_220 = tpu.matmul %get3A_196, %transpose3A, %dot_general3A {dimension_numbers = #tpu.dot_dimension_numbers<[1], [0], [0], [1], [0, 0, 1, 1], [], []>, transpose_lhs_hint = false} : vector<256x2048xf32>, vector<2048x64xf32>, vector<256x64xf32> -> vector<256x64xf32>
      %dot_general3A_221 = arith.constant dense<0.000000e+00> : vector<256x64xf32>
      %dot_general3A_222 = tpu.matmul %get3A_201, %transpose3A, %dot_general3A_221 {dimension_numbers = #tpu.dot_dimension_numbers<[1], [0], [0], [1], [0, 0, 1, 1], [], []>, transpose_lhs_hint = false} : vector<256x2048xf32>, vector<2048x64xf32>, vector<256x64xf32> -> vector<256x64xf32>
      %logistic3A = arith.negf %dot_general3A_220 : vector<256x64xf32>
      %logistic3A_223 = math.exp %logistic3A : vector<256x64xf32>
      %logistic3A_224 = arith.constant 1.000000e+00 : f32
      %logistic3A_225 = vector.broadcast %logistic3A_224 : f32 to vector<256x64xf32>
      %logistic3A_226 = arith.addf %logistic3A_225, %logistic3A_223 : vector<256x64xf32>
      %logistic3A_227 = arith.divf %logistic3A_225, %logistic3A_226 : vector<256x64xf32>
      %mul3A_228 = arith.mulf %dot_general3A_220, %logistic3A_227 : vector<256x64xf32>
      %mul3A_229 = arith.mulf %mul3A_228, %dot_general3A_222 : vector<256x64xf32>
      %get3A_230 = arith.index_cast %multiple_of3A : i32 to index
      %get3A_231 = arith.constant 0 : index
      %get3A_232 = vector.load %arg5[%get3A_230, %get3A_231] : memref<2560x1xf32, #tpu.memory_space<vmem>>, vector<64x1xf32>
      %transpose3A_233 = tpu.transpose %mul3A_229, [1, 0] : vector<256x64xf32> -> vector<64x256xf32>
      %mul3A_234 = vector.broadcast %get3A_232 : vector<64x1xf32> to vector<64x256xf32>
      %mul3A_235 = arith.mulf %transpose3A_233, %mul3A_234 : vector<64x256xf32>
      %convert_element_type3A = arith.truncf %mul3A_235 : vector<64x256xf32> to vector<64x256xbf16>
      %swap3A = arith.index_cast %multiple_of3A : i32 to index
      %swap3A_236 = arith.constant 0 : index
      %swap3A_237 = vector.load %arg8[%swap3A, %swap3A_236] : memref<2560x256xbf16, #tpu.memory_space<vmem>>, vector<64x256xbf16>
      tpu.vector_store %arg8[%swap3A, %swap3A_236], %convert_element_type3A {strides = array<i32>} : memref<2560x256xbf16, #tpu.memory_space<vmem>>, vector<64x256xbf16>,
    }
    %while3A_211 = arith.constant 1 : i32
    scf.for %while3A_212 = %while3A_209 to %while3A_205 step %while3A_211  : i32 {
      %mul3A_213 = arith.constant 64 : i32
      %mul3A_214 = arith.muli %while3A_212, %mul3A_213 : i32
      %add3A_215 = arith.addi %get3A_161, %mul3A_214 : i32
      %min3A = arith.constant 2496 : i32
      %min3A_216 = arith.minsi %add3A_215, %min3A : i32
      %multiple_of3A = tpu.assume_multiple %min3A_216, 8 : i32
      %get3A_217 = arith.index_cast %multiple_of3A : i32 to index
      %get3A_218 = arith.constant 0 : index
      %get3A_219 = vector.load %arg4[%get3A_217, %get3A_218] : memref<2560x2048xf32, #tpu.memory_space<vmem>>, vector<64x2048xf32>
      %transpose3A = tpu.transpose %get3A_219, [1, 0] : vector<64x2048xf32> -> vector<2048x64xf32>
      %dot_general3A = arith.constant dense<0.000000e+00> : vector<256x64xf32>
      %dot_general3A_220 = tpu.matmul %get3A_196, %transpose3A, %dot_general3A {dimension_numbers = #tpu.dot_dimension_numbers<[1], [0], [0], [1], [0, 0, 1, 1], [], []>, transpose_lhs_hint = false} : vector<256x2048xf32>, vector<2048x64xf32>, vector<256x64xf32> -> vector<256x64xf32>
      %dot_general3A_221 = arith.constant dense<0.000000e+00> : vector<256x64xf32>
      %dot_general3A_222 = tpu.matmul %get3A_201, %transpose3A, %dot_general3A_221 {dimension_numbers = #tpu.dot_dimension_numbers<[1], [0], [0], [1], [0, 0, 1, 1], [], []>, transpose_lhs_hint = false} : vector<256x2048xf32>, vector<2048x64xf32>, vector<256x64xf32> -> vector<256x64xf32>
      %logistic3A = arith.negf %dot_general3A_220 : vector<256x64xf32>
      %logistic3A_223 = math.exp %logistic3A : vector<256x64xf32>
      %logistic3A_224 = arith.constant 1.000000e+00 : f32
      %logistic3A_225 = vector.broadcast %logistic3A_224 : f32 to vector<256x64xf32>
      %logistic3A_226 = arith.addf %logistic3A_225, %logistic3A_223 : vector<256x64xf32>
      %logistic3A_227 = arith.divf %logistic3A_225, %logistic3A_226 : vector<256x64xf32>
      %mul3A_228 = arith.mulf %dot_general3A_220, %logistic3A_227 : vector<256x64xf32>
      %mul3A_229 = arith.mulf %mul3A_228, %dot_general3A_222 : vector<256x64xf32>
      %get3A_230 = arith.index_cast %multiple_of3A : i32 to index
      %get3A_231 = arith.constant 0 : index
      %get3A_232 = vector.load %arg5[%get3A_230, %get3A_231] : memref<2560x1xf32, #tpu.memory_space<vmem>>, vector<64x1xf32>
      %transpose3A_233 = tpu.transpose %mul3A_229, [1, 0] : vector<256x64xf32> -> vector<64x256xf32>
      %mul3A_234 = vector.broadcast %get3A_232 : vector<64x1xf32> to vector<64x256xf32>
      %mul3A_235 = arith.mulf %transpose3A_233, %mul3A_234 : vector<64x256xf32>
      %convert_element_type3A = arith.truncf %mul3A_235 : vector<64x256xf32> to vector<64x256xbf16>
      %swap3A = arith.index_cast %multiple_of3A : i32 to index
      %swap3A_236 = arith.constant 0 : index
      %swap3A_237 = vector.load %arg8[%swap3A, %swap3A_236] : memref<2560x256xbf16, #tpu.memory_space<vmem>>, vector<64x256xbf16>
      tpu.vector_store %arg8[%swap3A, %swap3A_236], %convert_element_type3A {strides = array<i32>} : memref<2560x256xbf16, #tpu.memory_space<vmem>>, vector<64x256xbf16>,
    }
    return
  }
  func.func @transform_0(%arg0: i32, %arg1: i32, %arg2: memref<64xi32, #tpu.memory_space<smem>>, %arg3: memref<64xi32, #tpu.memory_space<smem>>) -> (i32, i32) {
    %c0_i32 = arith.constant 0 : i32
    %c0_i32_0 = arith.constant 0 : i32
    %c0_i32_1 = arith.constant 0 : i32
    return %c0_i32, %c0_i32_0 : i32, i32
  }
  func.func @transform_1(%arg0: i32, %arg1: i32, %arg2: memref<64xi32, #tpu.memory_space<smem>>, %arg3: memref<64xi32, #tpu.memory_space<smem>>) -> (i32, i32) {
    %c0_i32 = arith.constant 0 : i32
    %c0_i32_0 = arith.constant 0 : i32
    %c0_i32_1 = arith.constant 0 : i32
    return %c0_i32, %c0_i32_0 : i32, i32
  }
  func.func @transform_2(%arg0: i32, %arg1: i32, %arg2: memref<64xi32, #tpu.memory_space<smem>>, %arg3: memref<64xi32, #tpu.memory_space<smem>>) -> (i32, i32, i32) {
    %c0_i32 = arith.constant 0 : i32
    %c0_i32_0 = arith.constant 0 : i32
    return %arg1, %arg0, %c0_i32 : i32, i32, i32
  }
  func.func @transform_3(%arg0: i32, %arg1: i32, %arg2: memref<64xi32, #tpu.memory_space<smem>>, %arg3: memref<64xi32, #tpu.memory_space<smem>>) -> (i32, i32, i32) {
    %c0_i32 = arith.constant 0 : i32
    %c0_i32_0 = arith.constant 0 : i32
    return %arg1, %arg0, %c0_i32 : i32, i32, i32
  }
  func.func @transform_4(%arg0: i32, %arg1: i32, %arg2: memref<64xi32, #tpu.memory_space<smem>>, %arg3: memref<64xi32, #tpu.memory_space<smem>>) -> (i32, i32) {
    %c0_i32 = arith.constant 0 : i32
    %c0_i32_0 = arith.constant 0 : i32
    return %c0_i32, %arg0 : i32, i32
  }
}

module attributes {stable_mosaic.version = 14 : i64} {
  func.func @_down_body(%arg0: i32, %arg1: i32, %arg2: memref<64xi32, #tpu.memory_space<smem>>, %arg3: memref<64xi32, #tpu.memory_space<smem>>, %arg4: memref<2560x2048xbf16, #tpu.memory_space<vmem>>, %arg5: memref<4x512x2048xf32, #tpu.memory_space<vmem>>, %arg6: memref<2560x512xf32, #tpu.memory_space<vmem>>) attributes {dimension_semantics = [#tpu.dimension_semantics<arbitrary>, #tpu.dimension_semantics<arbitrary>], iteration_bounds = array<i64: 4, 16>, scalar_prefetch = 2 : i64, scratch_operands = 0 : i64, tpu.core_type = #tpu.core_type<tc>, window_params = [{pipeline_mode = #tpu.pipeline_mode<synchronous>, transform_indices = @transform_0, window_bounds = array<i64: 2560, 2048>}, {transform_indices = @transform_1, window_bounds = array<i64: 4, 512, 2048>}, {transform_indices = @transform_2, window_bounds = array<i64: 2560, 512>}]} {
    %mul3A = arith.constant 4 : i32
    %mul3A_0 = arith.muli %arg1, %mul3A : i32
    %add3A = arith.constant 0 : i32
    %add3A_1 = arith.addi %mul3A_0, %add3A : i32
    %get3A = arith.index_cast %add3A_1 : i32 to index
    %get3A_2 = memref.load %arg2[%get3A] : memref<64xi32, #tpu.memory_space<smem>>
    %get3A_3 = arith.index_cast %add3A_1 : i32 to index
    %get3A_4 = memref.load %arg3[%get3A_3] : memref<64xi32, #tpu.memory_space<smem>>
    %add3A_5 = arith.constant 64 : i32
    %add3A_6 = arith.addi %get3A_4, %add3A_5 : i32
    %sub3A = arith.constant 1 : i32
    %sub3A_7 = arith.subi %add3A_6, %sub3A : i32
    %jit3A = arith.constant 64 : i32
    %div3A = arith.divsi %sub3A_7, %jit3A : i32
    %sign3A = arith.constant 0 : i32
    %sign3A_8 = arith.cmpi sgt, %sub3A_7, %sign3A : i32
    %sign3A_9 = arith.extui %sign3A_8 : i1 to i32
    %sign3A_10 = arith.constant 0 : i32
    %sign3A_11 = arith.cmpi slt, %sub3A_7, %sign3A_10 : i32
    %sign3A_12 = arith.extui %sign3A_11 : i1 to i32
    %sign3A_13 = arith.subi %sign3A_9, %sign3A_12 : i32
    %sign3A_14 = arith.constant 0 : i32
    %sign3A_15 = arith.cmpi sgt, %jit3A, %sign3A_14 : i32
    %sign3A_16 = arith.extui %sign3A_15 : i1 to i32
    %sign3A_17 = arith.constant 0 : i32
    %sign3A_18 = arith.cmpi slt, %jit3A, %sign3A_17 : i32
    %sign3A_19 = arith.extui %sign3A_18 : i1 to i32
    %sign3A_20 = arith.subi %sign3A_16, %sign3A_19 : i32
    %ne3A = arith.cmpi ne, %sign3A_13, %sign3A_20 : i32
    %rem3A = arith.remsi %sub3A_7, %jit3A : i32
    %ne3A_21 = arith.constant 0 : i32
    %ne3A_22 = arith.cmpi ne, %rem3A, %ne3A_21 : i32
    %and3A = arith.andi %ne3A, %ne3A_22 : i1
    %sub3A_23 = arith.constant 1 : i32
    %sub3A_24 = arith.subi %div3A, %sub3A_23 : i32
    %select_n3A = arith.select %and3A, %sub3A_24, %div3A : i32
    %get3A_25 = arith.constant 0 : index
    %get3A_26 = arith.constant 0 : index
    %get3A_27 = arith.constant 0 : index
    %get3A_28 = vector.load %arg5[%get3A_25, %get3A_26, %get3A_27] : memref<4x512x2048xf32, #tpu.memory_space<vmem>>, vector<1x512x2048xf32>
    %get3A_29 = vector.shape_cast %get3A_28 : vector<1x512x2048xf32> to vector<512x2048xf32>
    %while3A = arith.constant 0 : i32
    %while3A_30 = arith.constant 0 : i32
    %while3A_31 = arith.subi %select_n3A, %while3A_30 : i32
    %while3A_32 = arith.addi %while3A_30, %while3A_31 : i32
    %while3A_33 = arith.constant 1 : i32
    %while3A_34 = arith.divsi %while3A_31, %while3A_33 : i32
    %while3A_35 = arith.muli %while3A_34, %while3A_33 : i32
    %while3A_36 = arith.addi %while3A_30, %while3A_35 : i32
    %while3A_37 = arith.constant 1 : i32
    scf.for %while3A_192 = %while3A_30 to %while3A_36 step %while3A_37  : i32 {
      %mul3A_193 = arith.constant 64 : i32
      %mul3A_194 = arith.muli %while3A_192, %mul3A_193 : i32
      %add3A_195 = arith.addi %get3A_2, %mul3A_194 : i32
      %min3A = arith.constant 2496 : i32
      %min3A_196 = arith.minsi %add3A_195, %min3A : i32
      %multiple_of3A = tpu.assume_multiple %min3A_196, 8 : i32
      %get3A_197 = arith.index_cast %multiple_of3A : i32 to index
      %get3A_198 = arith.constant 0 : index
      %get3A_199 = vector.load %arg4[%get3A_197, %get3A_198] : memref<2560x2048xbf16, #tpu.memory_space<vmem>>, vector<64x2048xbf16>
      %convert_element_type3A = arith.extf %get3A_199 : vector<64x2048xbf16> to vector<64x2048xf32>
      %transpose3A = tpu.transpose %convert_element_type3A, [1, 0] : vector<64x2048xf32> -> vector<2048x64xf32>
      %dot_general3A = arith.constant dense<0.000000e+00> : vector<512x64xf32>
      %dot_general3A_200 = tpu.matmul %get3A_29, %transpose3A, %dot_general3A {dimension_numbers = #tpu.dot_dimension_numbers<[1], [0], [0], [1], [0, 0, 1, 1], [], []>, transpose_lhs_hint = false} : vector<512x2048xf32>, vector<2048x64xf32>, vector<512x64xf32> -> vector<512x64xf32>
      %transpose3A_201 = tpu.transpose %dot_general3A_200, [1, 0] : vector<512x64xf32> -> vector<64x512xf32>
      %swap3A = arith.index_cast %multiple_of3A : i32 to index
      %swap3A_202 = arith.constant 0 : index
      %swap3A_203 = vector.load %arg6[%swap3A, %swap3A_202] : memref<2560x512xf32, #tpu.memory_space<vmem>>, vector<64x512xf32>
      tpu.vector_store %arg6[%swap3A, %swap3A_202], %transpose3A_201 {strides = array<i32>} : memref<2560x512xf32, #tpu.memory_space<vmem>>, vector<64x512xf32>,
    }
    %while3A_38 = arith.constant 1 : i32
    scf.for %while3A_192 = %while3A_36 to %while3A_32 step %while3A_38  : i32 {
      %mul3A_193 = arith.constant 64 : i32
      %mul3A_194 = arith.muli %while3A_192, %mul3A_193 : i32
      %add3A_195 = arith.addi %get3A_2, %mul3A_194 : i32
      %min3A = arith.constant 2496 : i32
      %min3A_196 = arith.minsi %add3A_195, %min3A : i32
      %multiple_of3A = tpu.assume_multiple %min3A_196, 8 : i32
      %get3A_197 = arith.index_cast %multiple_of3A : i32 to index
      %get3A_198 = arith.constant 0 : index
      %get3A_199 = vector.load %arg4[%get3A_197, %get3A_198] : memref<2560x2048xbf16, #tpu.memory_space<vmem>>, vector<64x2048xbf16>
      %convert_element_type3A = arith.extf %get3A_199 : vector<64x2048xbf16> to vector<64x2048xf32>
      %transpose3A = tpu.transpose %convert_element_type3A, [1, 0] : vector<64x2048xf32> -> vector<2048x64xf32>
      %dot_general3A = arith.constant dense<0.000000e+00> : vector<512x64xf32>
      %dot_general3A_200 = tpu.matmul %get3A_29, %transpose3A, %dot_general3A {dimension_numbers = #tpu.dot_dimension_numbers<[1], [0], [0], [1], [0, 0, 1, 1], [], []>, transpose_lhs_hint = false} : vector<512x2048xf32>, vector<2048x64xf32>, vector<512x64xf32> -> vector<512x64xf32>
      %transpose3A_201 = tpu.transpose %dot_general3A_200, [1, 0] : vector<512x64xf32> -> vector<64x512xf32>
      %swap3A = arith.index_cast %multiple_of3A : i32 to index
      %swap3A_202 = arith.constant 0 : index
      %swap3A_203 = vector.load %arg6[%swap3A, %swap3A_202] : memref<2560x512xf32, #tpu.memory_space<vmem>>, vector<64x512xf32>
      tpu.vector_store %arg6[%swap3A, %swap3A_202], %transpose3A_201 {strides = array<i32>} : memref<2560x512xf32, #tpu.memory_space<vmem>>, vector<64x512xf32>,
    }
    %mul3A_39 = arith.constant 4 : i32
    %mul3A_40 = arith.muli %arg1, %mul3A_39 : i32
    %add3A_41 = arith.constant 1 : i32
    %add3A_42 = arith.addi %mul3A_40, %add3A_41 : i32
    %get3A_43 = arith.index_cast %add3A_42 : i32 to index
    %get3A_44 = memref.load %arg2[%get3A_43] : memref<64xi32, #tpu.memory_space<smem>>
    %get3A_45 = arith.index_cast %add3A_42 : i32 to index
    %get3A_46 = memref.load %arg3[%get3A_45] : memref<64xi32, #tpu.memory_space<smem>>
    %add3A_47 = arith.constant 64 : i32
    %add3A_48 = arith.addi %get3A_46, %add3A_47 : i32
    %sub3A_49 = arith.constant 1 : i32
    %sub3A_50 = arith.subi %add3A_48, %sub3A_49 : i32
    %jit3A_51 = arith.constant 64 : i32
    %div3A_52 = arith.divsi %sub3A_50, %jit3A_51 : i32
    %sign3A_53 = arith.constant 0 : i32
    %sign3A_54 = arith.cmpi sgt, %sub3A_50, %sign3A_53 : i32
    %sign3A_55 = arith.extui %sign3A_54 : i1 to i32
    %sign3A_56 = arith.constant 0 : i32
    %sign3A_57 = arith.cmpi slt, %sub3A_50, %sign3A_56 : i32
    %sign3A_58 = arith.extui %sign3A_57 : i1 to i32
    %sign3A_59 = arith.subi %sign3A_55, %sign3A_58 : i32
    %sign3A_60 = arith.constant 0 : i32
    %sign3A_61 = arith.cmpi sgt, %jit3A_51, %sign3A_60 : i32
    %sign3A_62 = arith.extui %sign3A_61 : i1 to i32
    %sign3A_63 = arith.constant 0 : i32
    %sign3A_64 = arith.cmpi slt, %jit3A_51, %sign3A_63 : i32
    %sign3A_65 = arith.extui %sign3A_64 : i1 to i32
    %sign3A_66 = arith.subi %sign3A_62, %sign3A_65 : i32
    %ne3A_67 = arith.cmpi ne, %sign3A_59, %sign3A_66 : i32
    %rem3A_68 = arith.remsi %sub3A_50, %jit3A_51 : i32
    %ne3A_69 = arith.constant 0 : i32
    %ne3A_70 = arith.cmpi ne, %rem3A_68, %ne3A_69 : i32
    %and3A_71 = arith.andi %ne3A_67, %ne3A_70 : i1
    %sub3A_72 = arith.constant 1 : i32
    %sub3A_73 = arith.subi %div3A_52, %sub3A_72 : i32
    %select_n3A_74 = arith.select %and3A_71, %sub3A_73, %div3A_52 : i32
    %get3A_75 = arith.constant 1 : index
    %get3A_76 = arith.constant 0 : index
    %get3A_77 = arith.constant 0 : index
    %get3A_78 = vector.load %arg5[%get3A_75, %get3A_76, %get3A_77] : memref<4x512x2048xf32, #tpu.memory_space<vmem>>, vector<1x512x2048xf32>
    %get3A_79 = vector.shape_cast %get3A_78 : vector<1x512x2048xf32> to vector<512x2048xf32>
    %while3A_80 = arith.constant 0 : i32
    %while3A_81 = arith.constant 0 : i32
    %while3A_82 = arith.subi %select_n3A_74, %while3A_81 : i32
    %while3A_83 = arith.addi %while3A_81, %while3A_82 : i32
    %while3A_84 = arith.constant 1 : i32
    %while3A_85 = arith.divsi %while3A_82, %while3A_84 : i32
    %while3A_86 = arith.muli %while3A_85, %while3A_84 : i32
    %while3A_87 = arith.addi %while3A_81, %while3A_86 : i32
    %while3A_88 = arith.constant 1 : i32
    scf.for %while3A_192 = %while3A_81 to %while3A_87 step %while3A_88  : i32 {
      %mul3A_193 = arith.constant 64 : i32
      %mul3A_194 = arith.muli %while3A_192, %mul3A_193 : i32
      %add3A_195 = arith.addi %get3A_44, %mul3A_194 : i32
      %min3A = arith.constant 2496 : i32
      %min3A_196 = arith.minsi %add3A_195, %min3A : i32
      %multiple_of3A = tpu.assume_multiple %min3A_196, 8 : i32
      %get3A_197 = arith.index_cast %multiple_of3A : i32 to index
      %get3A_198 = arith.constant 0 : index
      %get3A_199 = vector.load %arg4[%get3A_197, %get3A_198] : memref<2560x2048xbf16, #tpu.memory_space<vmem>>, vector<64x2048xbf16>
      %convert_element_type3A = arith.extf %get3A_199 : vector<64x2048xbf16> to vector<64x2048xf32>
      %transpose3A = tpu.transpose %convert_element_type3A, [1, 0] : vector<64x2048xf32> -> vector<2048x64xf32>
      %dot_general3A = arith.constant dense<0.000000e+00> : vector<512x64xf32>
      %dot_general3A_200 = tpu.matmul %get3A_79, %transpose3A, %dot_general3A {dimension_numbers = #tpu.dot_dimension_numbers<[1], [0], [0], [1], [0, 0, 1, 1], [], []>, transpose_lhs_hint = false} : vector<512x2048xf32>, vector<2048x64xf32>, vector<512x64xf32> -> vector<512x64xf32>
      %transpose3A_201 = tpu.transpose %dot_general3A_200, [1, 0] : vector<512x64xf32> -> vector<64x512xf32>
      %swap3A = arith.index_cast %multiple_of3A : i32 to index
      %swap3A_202 = arith.constant 0 : index
      %swap3A_203 = vector.load %arg6[%swap3A, %swap3A_202] : memref<2560x512xf32, #tpu.memory_space<vmem>>, vector<64x512xf32>
      tpu.vector_store %arg6[%swap3A, %swap3A_202], %transpose3A_201 {strides = array<i32>} : memref<2560x512xf32, #tpu.memory_space<vmem>>, vector<64x512xf32>,
    }
    %while3A_89 = arith.constant 1 : i32
    scf.for %while3A_192 = %while3A_87 to %while3A_83 step %while3A_89  : i32 {
      %mul3A_193 = arith.constant 64 : i32
      %mul3A_194 = arith.muli %while3A_192, %mul3A_193 : i32
      %add3A_195 = arith.addi %get3A_44, %mul3A_194 : i32
      %min3A = arith.constant 2496 : i32
      %min3A_196 = arith.minsi %add3A_195, %min3A : i32
      %multiple_of3A = tpu.assume_multiple %min3A_196, 8 : i32
      %get3A_197 = arith.index_cast %multiple_of3A : i32 to index
      %get3A_198 = arith.constant 0 : index
      %get3A_199 = vector.load %arg4[%get3A_197, %get3A_198] : memref<2560x2048xbf16, #tpu.memory_space<vmem>>, vector<64x2048xbf16>
      %convert_element_type3A = arith.extf %get3A_199 : vector<64x2048xbf16> to vector<64x2048xf32>
      %transpose3A = tpu.transpose %convert_element_type3A, [1, 0] : vector<64x2048xf32> -> vector<2048x64xf32>
      %dot_general3A = arith.constant dense<0.000000e+00> : vector<512x64xf32>
      %dot_general3A_200 = tpu.matmul %get3A_79, %transpose3A, %dot_general3A {dimension_numbers = #tpu.dot_dimension_numbers<[1], [0], [0], [1], [0, 0, 1, 1], [], []>, transpose_lhs_hint = false} : vector<512x2048xf32>, vector<2048x64xf32>, vector<512x64xf32> -> vector<512x64xf32>
      %transpose3A_201 = tpu.transpose %dot_general3A_200, [1, 0] : vector<512x64xf32> -> vector<64x512xf32>
      %swap3A = arith.index_cast %multiple_of3A : i32 to index
      %swap3A_202 = arith.constant 0 : index
      %swap3A_203 = vector.load %arg6[%swap3A, %swap3A_202] : memref<2560x512xf32, #tpu.memory_space<vmem>>, vector<64x512xf32>
      tpu.vector_store %arg6[%swap3A, %swap3A_202], %transpose3A_201 {strides = array<i32>} : memref<2560x512xf32, #tpu.memory_space<vmem>>, vector<64x512xf32>,
    }
    %mul3A_90 = arith.constant 4 : i32
    %mul3A_91 = arith.muli %arg1, %mul3A_90 : i32
    %add3A_92 = arith.constant 2 : i32
    %add3A_93 = arith.addi %mul3A_91, %add3A_92 : i32
    %get3A_94 = arith.index_cast %add3A_93 : i32 to index
    %get3A_95 = memref.load %arg2[%get3A_94] : memref<64xi32, #tpu.memory_space<smem>>
    %get3A_96 = arith.index_cast %add3A_93 : i32 to index
    %get3A_97 = memref.load %arg3[%get3A_96] : memref<64xi32, #tpu.memory_space<smem>>
    %add3A_98 = arith.constant 64 : i32
    %add3A_99 = arith.addi %get3A_97, %add3A_98 : i32
    %sub3A_100 = arith.constant 1 : i32
    %sub3A_101 = arith.subi %add3A_99, %sub3A_100 : i32
    %jit3A_102 = arith.constant 64 : i32
    %div3A_103 = arith.divsi %sub3A_101, %jit3A_102 : i32
    %sign3A_104 = arith.constant 0 : i32
    %sign3A_105 = arith.cmpi sgt, %sub3A_101, %sign3A_104 : i32
    %sign3A_106 = arith.extui %sign3A_105 : i1 to i32
    %sign3A_107 = arith.constant 0 : i32
    %sign3A_108 = arith.cmpi slt, %sub3A_101, %sign3A_107 : i32
    %sign3A_109 = arith.extui %sign3A_108 : i1 to i32
    %sign3A_110 = arith.subi %sign3A_106, %sign3A_109 : i32
    %sign3A_111 = arith.constant 0 : i32
    %sign3A_112 = arith.cmpi sgt, %jit3A_102, %sign3A_111 : i32
    %sign3A_113 = arith.extui %sign3A_112 : i1 to i32
    %sign3A_114 = arith.constant 0 : i32
    %sign3A_115 = arith.cmpi slt, %jit3A_102, %sign3A_114 : i32
    %sign3A_116 = arith.extui %sign3A_115 : i1 to i32
    %sign3A_117 = arith.subi %sign3A_113, %sign3A_116 : i32
    %ne3A_118 = arith.cmpi ne, %sign3A_110, %sign3A_117 : i32
    %rem3A_119 = arith.remsi %sub3A_101, %jit3A_102 : i32
    %ne3A_120 = arith.constant 0 : i32
    %ne3A_121 = arith.cmpi ne, %rem3A_119, %ne3A_120 : i32
    %and3A_122 = arith.andi %ne3A_118, %ne3A_121 : i1
    %sub3A_123 = arith.constant 1 : i32
    %sub3A_124 = arith.subi %div3A_103, %sub3A_123 : i32
    %select_n3A_125 = arith.select %and3A_122, %sub3A_124, %div3A_103 : i32
    %get3A_126 = arith.constant 2 : index
    %get3A_127 = arith.constant 0 : index
    %get3A_128 = arith.constant 0 : index
    %get3A_129 = vector.load %arg5[%get3A_126, %get3A_127, %get3A_128] : memref<4x512x2048xf32, #tpu.memory_space<vmem>>, vector<1x512x2048xf32>
    %get3A_130 = vector.shape_cast %get3A_129 : vector<1x512x2048xf32> to vector<512x2048xf32>
    %while3A_131 = arith.constant 0 : i32
    %while3A_132 = arith.constant 0 : i32
    %while3A_133 = arith.subi %select_n3A_125, %while3A_132 : i32
    %while3A_134 = arith.addi %while3A_132, %while3A_133 : i32
    %while3A_135 = arith.constant 1 : i32
    %while3A_136 = arith.divsi %while3A_133, %while3A_135 : i32
    %while3A_137 = arith.muli %while3A_136, %while3A_135 : i32
    %while3A_138 = arith.addi %while3A_132, %while3A_137 : i32
    %while3A_139 = arith.constant 1 : i32
    scf.for %while3A_192 = %while3A_132 to %while3A_138 step %while3A_139  : i32 {
      %mul3A_193 = arith.constant 64 : i32
      %mul3A_194 = arith.muli %while3A_192, %mul3A_193 : i32
      %add3A_195 = arith.addi %get3A_95, %mul3A_194 : i32
      %min3A = arith.constant 2496 : i32
      %min3A_196 = arith.minsi %add3A_195, %min3A : i32
      %multiple_of3A = tpu.assume_multiple %min3A_196, 8 : i32
      %get3A_197 = arith.index_cast %multiple_of3A : i32 to index
      %get3A_198 = arith.constant 0 : index
      %get3A_199 = vector.load %arg4[%get3A_197, %get3A_198] : memref<2560x2048xbf16, #tpu.memory_space<vmem>>, vector<64x2048xbf16>
      %convert_element_type3A = arith.extf %get3A_199 : vector<64x2048xbf16> to vector<64x2048xf32>
      %transpose3A = tpu.transpose %convert_element_type3A, [1, 0] : vector<64x2048xf32> -> vector<2048x64xf32>
      %dot_general3A = arith.constant dense<0.000000e+00> : vector<512x64xf32>
      %dot_general3A_200 = tpu.matmul %get3A_130, %transpose3A, %dot_general3A {dimension_numbers = #tpu.dot_dimension_numbers<[1], [0], [0], [1], [0, 0, 1, 1], [], []>, transpose_lhs_hint = false} : vector<512x2048xf32>, vector<2048x64xf32>, vector<512x64xf32> -> vector<512x64xf32>
      %transpose3A_201 = tpu.transpose %dot_general3A_200, [1, 0] : vector<512x64xf32> -> vector<64x512xf32>
      %swap3A = arith.index_cast %multiple_of3A : i32 to index
      %swap3A_202 = arith.constant 0 : index
      %swap3A_203 = vector.load %arg6[%swap3A, %swap3A_202] : memref<2560x512xf32, #tpu.memory_space<vmem>>, vector<64x512xf32>
      tpu.vector_store %arg6[%swap3A, %swap3A_202], %transpose3A_201 {strides = array<i32>} : memref<2560x512xf32, #tpu.memory_space<vmem>>, vector<64x512xf32>,
    }
    %while3A_140 = arith.constant 1 : i32
    scf.for %while3A_192 = %while3A_138 to %while3A_134 step %while3A_140  : i32 {
      %mul3A_193 = arith.constant 64 : i32
      %mul3A_194 = arith.muli %while3A_192, %mul3A_193 : i32
      %add3A_195 = arith.addi %get3A_95, %mul3A_194 : i32
      %min3A = arith.constant 2496 : i32
      %min3A_196 = arith.minsi %add3A_195, %min3A : i32
      %multiple_of3A = tpu.assume_multiple %min3A_196, 8 : i32
      %get3A_197 = arith.index_cast %multiple_of3A : i32 to index
      %get3A_198 = arith.constant 0 : index
      %get3A_199 = vector.load %arg4[%get3A_197, %get3A_198] : memref<2560x2048xbf16, #tpu.memory_space<vmem>>, vector<64x2048xbf16>
      %convert_element_type3A = arith.extf %get3A_199 : vector<64x2048xbf16> to vector<64x2048xf32>
      %transpose3A = tpu.transpose %convert_element_type3A, [1, 0] : vector<64x2048xf32> -> vector<2048x64xf32>
      %dot_general3A = arith.constant dense<0.000000e+00> : vector<512x64xf32>
      %dot_general3A_200 = tpu.matmul %get3A_130, %transpose3A, %dot_general3A {dimension_numbers = #tpu.dot_dimension_numbers<[1], [0], [0], [1], [0, 0, 1, 1], [], []>, transpose_lhs_hint = false} : vector<512x2048xf32>, vector<2048x64xf32>, vector<512x64xf32> -> vector<512x64xf32>
      %transpose3A_201 = tpu.transpose %dot_general3A_200, [1, 0] : vector<512x64xf32> -> vector<64x512xf32>
      %swap3A = arith.index_cast %multiple_of3A : i32 to index
      %swap3A_202 = arith.constant 0 : index
      %swap3A_203 = vector.load %arg6[%swap3A, %swap3A_202] : memref<2560x512xf32, #tpu.memory_space<vmem>>, vector<64x512xf32>
      tpu.vector_store %arg6[%swap3A, %swap3A_202], %transpose3A_201 {strides = array<i32>} : memref<2560x512xf32, #tpu.memory_space<vmem>>, vector<64x512xf32>,
    }
    %mul3A_141 = arith.constant 4 : i32
    %mul3A_142 = arith.muli %arg1, %mul3A_141 : i32
    %add3A_143 = arith.constant 3 : i32
    %add3A_144 = arith.addi %mul3A_142, %add3A_143 : i32
    %get3A_145 = arith.index_cast %add3A_144 : i32 to index
    %get3A_146 = memref.load %arg2[%get3A_145] : memref<64xi32, #tpu.memory_space<smem>>
    %get3A_147 = arith.index_cast %add3A_144 : i32 to index
    %get3A_148 = memref.load %arg3[%get3A_147] : memref<64xi32, #tpu.memory_space<smem>>
    %add3A_149 = arith.constant 64 : i32
    %add3A_150 = arith.addi %get3A_148, %add3A_149 : i32
    %sub3A_151 = arith.constant 1 : i32
    %sub3A_152 = arith.subi %add3A_150, %sub3A_151 : i32
    %jit3A_153 = arith.constant 64 : i32
    %div3A_154 = arith.divsi %sub3A_152, %jit3A_153 : i32
    %sign3A_155 = arith.constant 0 : i32
    %sign3A_156 = arith.cmpi sgt, %sub3A_152, %sign3A_155 : i32
    %sign3A_157 = arith.extui %sign3A_156 : i1 to i32
    %sign3A_158 = arith.constant 0 : i32
    %sign3A_159 = arith.cmpi slt, %sub3A_152, %sign3A_158 : i32
    %sign3A_160 = arith.extui %sign3A_159 : i1 to i32
    %sign3A_161 = arith.subi %sign3A_157, %sign3A_160 : i32
    %sign3A_162 = arith.constant 0 : i32
    %sign3A_163 = arith.cmpi sgt, %jit3A_153, %sign3A_162 : i32
    %sign3A_164 = arith.extui %sign3A_163 : i1 to i32
    %sign3A_165 = arith.constant 0 : i32
    %sign3A_166 = arith.cmpi slt, %jit3A_153, %sign3A_165 : i32
    %sign3A_167 = arith.extui %sign3A_166 : i1 to i32
    %sign3A_168 = arith.subi %sign3A_164, %sign3A_167 : i32
    %ne3A_169 = arith.cmpi ne, %sign3A_161, %sign3A_168 : i32
    %rem3A_170 = arith.remsi %sub3A_152, %jit3A_153 : i32
    %ne3A_171 = arith.constant 0 : i32
    %ne3A_172 = arith.cmpi ne, %rem3A_170, %ne3A_171 : i32
    %and3A_173 = arith.andi %ne3A_169, %ne3A_172 : i1
    %sub3A_174 = arith.constant 1 : i32
    %sub3A_175 = arith.subi %div3A_154, %sub3A_174 : i32
    %select_n3A_176 = arith.select %and3A_173, %sub3A_175, %div3A_154 : i32
    %get3A_177 = arith.constant 3 : index
    %get3A_178 = arith.constant 0 : index
    %get3A_179 = arith.constant 0 : index
    %get3A_180 = vector.load %arg5[%get3A_177, %get3A_178, %get3A_179] : memref<4x512x2048xf32, #tpu.memory_space<vmem>>, vector<1x512x2048xf32>
    %get3A_181 = vector.shape_cast %get3A_180 : vector<1x512x2048xf32> to vector<512x2048xf32>
    %while3A_182 = arith.constant 0 : i32
    %while3A_183 = arith.constant 0 : i32
    %while3A_184 = arith.subi %select_n3A_176, %while3A_183 : i32
    %while3A_185 = arith.addi %while3A_183, %while3A_184 : i32
    %while3A_186 = arith.constant 1 : i32
    %while3A_187 = arith.divsi %while3A_184, %while3A_186 : i32
    %while3A_188 = arith.muli %while3A_187, %while3A_186 : i32
    %while3A_189 = arith.addi %while3A_183, %while3A_188 : i32
    %while3A_190 = arith.constant 1 : i32
    scf.for %while3A_192 = %while3A_183 to %while3A_189 step %while3A_190  : i32 {
      %mul3A_193 = arith.constant 64 : i32
      %mul3A_194 = arith.muli %while3A_192, %mul3A_193 : i32
      %add3A_195 = arith.addi %get3A_146, %mul3A_194 : i32
      %min3A = arith.constant 2496 : i32
      %min3A_196 = arith.minsi %add3A_195, %min3A : i32
      %multiple_of3A = tpu.assume_multiple %min3A_196, 8 : i32
      %get3A_197 = arith.index_cast %multiple_of3A : i32 to index
      %get3A_198 = arith.constant 0 : index
      %get3A_199 = vector.load %arg4[%get3A_197, %get3A_198] : memref<2560x2048xbf16, #tpu.memory_space<vmem>>, vector<64x2048xbf16>
      %convert_element_type3A = arith.extf %get3A_199 : vector<64x2048xbf16> to vector<64x2048xf32>
      %transpose3A = tpu.transpose %convert_element_type3A, [1, 0] : vector<64x2048xf32> -> vector<2048x64xf32>
      %dot_general3A = arith.constant dense<0.000000e+00> : vector<512x64xf32>
      %dot_general3A_200 = tpu.matmul %get3A_181, %transpose3A, %dot_general3A {dimension_numbers = #tpu.dot_dimension_numbers<[1], [0], [0], [1], [0, 0, 1, 1], [], []>, transpose_lhs_hint = false} : vector<512x2048xf32>, vector<2048x64xf32>, vector<512x64xf32> -> vector<512x64xf32>
      %transpose3A_201 = tpu.transpose %dot_general3A_200, [1, 0] : vector<512x64xf32> -> vector<64x512xf32>
      %swap3A = arith.index_cast %multiple_of3A : i32 to index
      %swap3A_202 = arith.constant 0 : index
      %swap3A_203 = vector.load %arg6[%swap3A, %swap3A_202] : memref<2560x512xf32, #tpu.memory_space<vmem>>, vector<64x512xf32>
      tpu.vector_store %arg6[%swap3A, %swap3A_202], %transpose3A_201 {strides = array<i32>} : memref<2560x512xf32, #tpu.memory_space<vmem>>, vector<64x512xf32>,
    }
    %while3A_191 = arith.constant 1 : i32
    scf.for %while3A_192 = %while3A_189 to %while3A_185 step %while3A_191  : i32 {
      %mul3A_193 = arith.constant 64 : i32
      %mul3A_194 = arith.muli %while3A_192, %mul3A_193 : i32
      %add3A_195 = arith.addi %get3A_146, %mul3A_194 : i32
      %min3A = arith.constant 2496 : i32
      %min3A_196 = arith.minsi %add3A_195, %min3A : i32
      %multiple_of3A = tpu.assume_multiple %min3A_196, 8 : i32
      %get3A_197 = arith.index_cast %multiple_of3A : i32 to index
      %get3A_198 = arith.constant 0 : index
      %get3A_199 = vector.load %arg4[%get3A_197, %get3A_198] : memref<2560x2048xbf16, #tpu.memory_space<vmem>>, vector<64x2048xbf16>
      %convert_element_type3A = arith.extf %get3A_199 : vector<64x2048xbf16> to vector<64x2048xf32>
      %transpose3A = tpu.transpose %convert_element_type3A, [1, 0] : vector<64x2048xf32> -> vector<2048x64xf32>
      %dot_general3A = arith.constant dense<0.000000e+00> : vector<512x64xf32>
      %dot_general3A_200 = tpu.matmul %get3A_181, %transpose3A, %dot_general3A {dimension_numbers = #tpu.dot_dimension_numbers<[1], [0], [0], [1], [0, 0, 1, 1], [], []>, transpose_lhs_hint = false} : vector<512x2048xf32>, vector<2048x64xf32>, vector<512x64xf32> -> vector<512x64xf32>
      %transpose3A_201 = tpu.transpose %dot_general3A_200, [1, 0] : vector<512x64xf32> -> vector<64x512xf32>
      %swap3A = arith.index_cast %multiple_of3A : i32 to index
      %swap3A_202 = arith.constant 0 : index
      %swap3A_203 = vector.load %arg6[%swap3A, %swap3A_202] : memref<2560x512xf32, #tpu.memory_space<vmem>>, vector<64x512xf32>
      tpu.vector_store %arg6[%swap3A, %swap3A_202], %transpose3A_201 {strides = array<i32>} : memref<2560x512xf32, #tpu.memory_space<vmem>>, vector<64x512xf32>,
    }
    return
  }
  func.func @transform_0(%arg0: i32, %arg1: i32, %arg2: memref<64xi32, #tpu.memory_space<smem>>, %arg3: memref<64xi32, #tpu.memory_space<smem>>) -> (i32, i32) {
    %c0_i32 = arith.constant 0 : i32
    %c0_i32_0 = arith.constant 0 : i32
    %c0_i32_1 = arith.constant 0 : i32
    return %c0_i32, %c0_i32_0 : i32, i32
  }
  func.func @transform_1(%arg0: i32, %arg1: i32, %arg2: memref<64xi32, #tpu.memory_space<smem>>, %arg3: memref<64xi32, #tpu.memory_space<smem>>) -> (i32, i32, i32) {
    %c0_i32 = arith.constant 0 : i32
    %c0_i32_0 = arith.constant 0 : i32
    return %arg1, %arg0, %c0_i32 : i32, i32, i32
  }
  func.func @transform_2(%arg0: i32, %arg1: i32, %arg2: memref<64xi32, #tpu.memory_space<smem>>, %arg3: memref<64xi32, #tpu.memory_space<smem>>) -> (i32, i32) {
    %c0_i32 = arith.constant 0 : i32
    %c0_i32_0 = arith.constant 0 : i32
    return %c0_i32, %arg0 : i32, i32
  }
}

</mosaic_0001>

<sc_bundles>
// kernel: gather_offload_async_start
scs
__scs_entry_jumppad:
0x0: {  	(pc) =	sbr.rel $0x88, $3  }
0x1: {  	(tag) =	ssettag $0x0;
	lr =	simm.s32 $0x1  }
0x2: {  	[smem:$0x3F9B] =	sst lr;
	_ =	strace $0xD0000000  }
0x3: {  	_ = 	snop  }
0x4: {  	_ = 	snop  }
0x5: {  	_ = 	snop  }
0x6: {  	_ = 	snop  }
0x7: {  	_ = 	snop  }
__scs_overlays_trampoline_lowered:
0x8: {  	[smem:$0x3FAA] =	sst s0  }
0x9: {  	[smem:$0x3FAB] =	sst s1  }
0xa: {  	[smem:$0x3FAC] =	sst s2  }
0xb: {  	[smem:$0x3FAD] =	sst s3  }
0xc: {  	[smem:$0x3FAE] =	sst s4  }
0xd: {  	[smem:$0x3FAF] =	sst s5  }
0xe: {  	[smem:$0x3FB0] =	sst s6  }
0xf: {  	[smem:$0x3FB1] =	sst s7  }
0x10: {  	[smem:$0x3FB2] =	sst s8  }
0x11: {  	[smem:$0x3FB3] =	sst s9;
	s0 =	simm.s32 @!p0 $0x0  }
0x12: {  	s1 =	sld [smem:$0x3F99];
	s0 =	simm.s32 @p0 $0x1  }
0x13: {  	[smem:$0x3FB4] =	sst s0;
	s0 =	simm.s32 @!p1 $0x0  }
0x14: {  	s2 =	sld [smem:$0x3F98];
	s0 =	simm.s32 @p1 $0x1  }
0x15: {  	[smem:$0x3FB5] =	sst s0;
	s0 =	simm.s32 @!p2 $0x0  }
0x16: {  	s3 =	sld [smem:$0x3FDB];
	s0 =	simm.s32 @p2 $0x1  }
0x17: {  	s4 =	simm.s32 $0x1BF5;
	[smem:$0x3FB7] =	sst s0  }
0x18: {  	s0 =	sld [smem:$0x3F9A];
	_ =	swait.ge [sflag:s4], $0x0  }
0x19: {  	s7 =	sld [smem:$0x3F9B]  }
0x1a: {  	s8 =	sadd.s32 $0xFFFFE003, lr  }
0x1b: {  	s9 =	sadd.s32 $0xFFFFFEF7, lr;
	s5 =	simm.s32 $0xFFFFFFFF;
	p2 =	slt.u32 s8, $0xFFFFF086  }
0x1c: {  	p1 =	slt.u32 s9, $0xF7A;
	s5 =	simm.s32 @!p2 $0x0  }
0x1d: {  	s5 =	simm.s32 @p1 $0x1;
	p0 =	seq.s32 s7, s2  }
0x1e: {  	s7 =	smul.u32 @!p0 $0xF7A, s2;
	p2 =	seq.s32 @!p0 s5, $0x0  }
0x1f: {  	s9 =	smul.u32 $0xF7A, s1;
	s8 =	simm.s32 @!p0 $0x1BF5;
	p2 =	por !p2, p0  }
0x20: {  	[sflag:s8] =	ssyncset.s32 @!p0 $0xFFFFF086;
	s6 =	sadd.s32 @!p0 s3, s7;
	s7 =	simm.s32 @!p0 $0x108  }
0x21: {  	s3 =	sadd.s32 s3, s9;
	s6 =	sadd.s32 @!p0 $0x88, s6;
	s7 =	simm.s32 @p2 $0x1082  }
0x22: {  	[simem:s7], [sflag:s8] =	dma.local @!p0 [hbm:s6], $0xF7A  }
0x23: {  	s9 =	sor.u32 $0xD0000000, s2;
	s6 =	simm.s32 $0x108;
	_ =	swait.ge @!p0 [sflag:s8], $0x0  }
0x24: {  	s3 =	sadd.s32 $0x88, s3;
	s6 =	simm.s32 @!p1 $0x1082;
	[sflag:s4] =	ssyncset.s32 $0xFFFFF086  }
0x25: {  	[simem:s6], [sflag:s4] =	dma.local [hbm:s3], $0xF7A  }
0x26: {  	[smem:$0x3F9B] =	sst s1;
	(tag) =	ssettag s2;
	_ =	strace s9  }
0x27: {  	s1 =	sld [smem:$0x3FAB]  }
0x28: {  	s2 =	sld [smem:$0x3FAC]  }
0x29: {  	s4 =	sld [smem:$0x3FAE]  }
0x2a: {  	p0 =	seq.s32 s5, $0x0;
	s5 =	sld [smem:$0x3FAF]  }
0x2b: {  	s6 =	sld [smem:$0x3FB0]  }
0x2c: {  	s7 =	sld [smem:$0x3FB1]  }
0x2d: {  	s3 =	simm.s32 $0x108;
	s8 =	sld [smem:$0x3FB2]  }
0x2e: {  	s3 =	simm.s32 @!p0 $0x1082;
	s9 =	sld [smem:$0x3FB3]  }
0x2f: {  	lr =	sadd.s32 s0, s3;
	s0 =	sld [smem:$0x3FAA]  }
0x30: {  	s3 =	sld [smem:$0x3FAD]  }
0x31: {  	[smem:$0x3FB6] =	sst s10  }
0x32: {  	s10 =	sld [smem:$0x3FB4];
	_ =	sdelay $0x3  }
0x33: {  	p0 =	seq.s32 s10, $0x1;
	s10 =	sld [smem:$0x3FB6];
	_ =	sdelay $0x3  }
0x34: {  	[smem:$0x3FB6] =	sst s10  }
0x35: {  	s10 =	sld [smem:$0x3FB5];
	_ =	sdelay $0x3  }
0x36: {  	p1 =	seq.s32 s10, $0x1;
	s10 =	sld [smem:$0x3FB6];
	_ =	sdelay $0x3  }
0x37: {  	[smem:$0x3FB6] =	sst s10  }
0x38: {  	s10 =	sld [smem:$0x3FB7]  }
0x39: {  	_ = 	snop;
	(pc) =	sbr.ind lr, $3  }
0x3a: {  	_ = 	snop  }
0x3b: {  	_ = 	snop  }
0x3c: {  	p2 =	seq.s32 s10, $0x1;
	s10 =	sld [smem:$0x3FB6]  }
0x3d: {  	_ =	shalt  }
0x3e: {  	_ =	shalt  }
0x3f: {  	_ =	shalt  }
0x40: {  	_ =	shalt  }
0x41: {  	_ =	shalt  }
0x42: {  	_ =	shalt  }
0x43: {  	_ =	shalt  }
0x44: {  	_ =	shalt  }
0x45: {  	_ =	shalt  }
0x46: {  	_ =	shalt  }
0x47: {  	_ =	shalt  }
0x48: {  	_ =	shalt  }
0x49: {  	_ =	shalt  }
0x4a: {  	_ =	shalt  }
0x4b: {  	_ =	shalt  }
0x4c: {  	_ =	shalt  }
0x4d: {  	_ =	shalt  }
0x4e: {  	_ =	shalt  }
0x4f: {  	_ =	shalt  }
0x50: {  	_ =	shalt  }
0x51: {  	_ =	shalt  }
0x52: {  	_ =	shalt  }
0x53: {  	_ =	shalt  }
0x54: {  	_ =	shalt  }
0x55: {  	_ =	shalt  }
0x56: {  	_ =	shalt  }
0x57: {  	_ =	shalt  }
0x58: {  	_ =	shalt  }
0x59: {  	_ =	shalt  }
0x5a: {  	_ =	shalt  }
0x5b: {  	_ =	shalt  }
0x5c: {  	_ =	shalt  }
0x5d: {  	_ =	shalt  }
0x5e: {  	_ =	shalt  }
0x5f: {  	_ =	shalt  }
0x60: {  	_ =	shalt  }
0x61: {  	_ =	shalt  }
0x62: {  	_ =	shalt  }
0x63: {  	_ =	shalt  }
0x64: {  	_ =	shalt  }
0x65: {  	_ =	shalt  }
0x66: {  	_ =	shalt  }
0x67: {  	_ =	shalt  }
0x68: {  	_ =	shalt  }
0x69: {  	_ =	shalt  }
0x6a: {  	_ =	shalt  }
0x6b: {  	_ =	shalt  }
0x6c: {  	_ =	shalt  }
0x6d: {  	_ =	shalt  }
0x6e: {  	_ =	shalt  }
0x6f: {  	_ =	shalt  }
0x70: {  	_ =	shalt  }
0x71: {  	_ =	shalt  }
0x72: {  	_ =	shalt  }
0x73: {  	_ =	shalt  }
0x74: {  	_ =	shalt  }
0x75: {  	_ =	shalt  }
0x76: {  	_ =	shalt  }
0x77: {  	_ =	shalt  }
0x78: {  	_ =	shalt  }
0x79: {  	_ =	shalt  }
0x7a: {  	_ =	shalt  }
0x7b: {  	_ =	shalt  }
0x7c: {  	_ =	shalt  }
0x7d: {  	_ =	shalt  }
0x7e: {  	_ =	shalt  }
0x7f: {  	_ =	shalt  }
0x80: {  	_ =	shalt  }
0x81: {  	_ =	shalt  }
0x82: {  	_ =	shalt  }
0x83: {  	_ =	shalt  }
0x84: {  	_ =	shalt  }
0x85: {  	_ =	shalt  }
0x86: {  	_ =	shalt  }
0x87: {  	_ =	shalt  }
.Lfunc_end0:
.L_simem_size_0:
called_computation_lowered:
.L_overlay_start_0:
0x88: {  	s2 =	sld [smem:$0x3FD9]  }
0x89: {  	s3 =	sld [smem:$0x3FFE];
	_ =	sdelay $0x1  }
0x8a: {  	s1 =	srdreg.scid  }
0x8b: {  	s0 =	sand.u32 $0x1, s1  }
0x8c: {  	s17 =	sshll.u32 s0, $0xA;
	s2 =	sadd.s32 s3, s2  }
0x8d: {  	s2 =	sadd.s32 s2, s17  }
0x8e: {  	[smem:$0x3FC2] =	sst s2  }
0x8f: {  	_ = 	snop  }
0x90: {  	s2 =	sld [smem:$0x3FD0];
	(tm) =	ssettm $0x1  }
0x91: {  	s18 =	sld [smem:$0x3FFB];
	_ =	sdelay $0x3  }
0x92: {  	_ =	strace s18  }
0x93: {  	s3 =	sld [smem:$0x3FFC];
	_ =	sdelay $0x3  }
0x94: {  	_ =	strace s3  }
0x95: {  	s3 =	sld [smem:$0x3FFD];
	_ =	sdelay $0x3  }
0x96: {  	_ =	strace s3  }
0x97: {  	_ =	strace $0x8FFFFFFF  }
0x98: {  	s19 =	sld [smem:$0x3FDB];
	_ =	sdelay $0x1  }
0x99: {  	s4 =	simm.s32 $_scs_section_size  }
0x9a: {  	s5 =	simm.s32 $_size__tile_overlayer_lowered;
	s6 =	simm.s32 $_tile_overlayer_lowered  }
0x9b: {  	s22 =	simm.s32 $0x1BFF;
	s21 =	sshll.u32 s6, $0x1;
	s3 =	sadd.s32 s4, s19  }
0x9c: {  	s7 =	simm.s32 $0x0;
	s20 =	sshll.u32 s5, $0x1;
	s5 =	sadd.s32 s21, s3  }
0x9d: {  	[timem:s7], [sflag:s22] =	dma.local [hbm:s5], s20  }
0x9e: {  	_ =	swait.ge [sflag:s22], s20  }
0x9f: {  	s4 =	ssub.s32 $0x0, s20;
	[sflag:s22] =	ssyncset.done $0x0  }
0xa0: {  	[sflag:s22] =	ssyncadd.s32 s4;
	_ =	sdelay $0x1  }
0xa1: {  	s23 =	simm.s32 $0x1B8B  }
0xa2: {  	_ =	swait.ge [sflag:s23], $0x1  }
0xa3: {  	[sflag:s23] =	ssyncset.done $0x0  }
0xa4: {  	s25 =	simm.s32 $0x1B8E;
	s24 =	sld [smem:$0x3FFE];
	[sflag:s23] =	ssyncadd.s32 $0xFFFFFFFF  }
0xa5: {  	s26 =	simm.s32 $execute0_lowered;
	[smem:$0x3FD2] =	sst s25  }
0xa6: {  	s5 =	sshll.u32 s26, $0x1;
	_ =	strace $0x80000046;
	[dreg:$0x1] =	wrdreg $0xFFFFFFFF  }
0xa7: {  	s28 =	simm.s32 $_size_execute0_lowered;
	s3 =	sadd.s32 s3, s5;
	[dreg:$0x0] =	wrdreg $0x0  }
0xa8: {  	s5 =	sshll.u32 s28, $0x1;
	[dreg:$0x2] =	wrdreg s3  }
0xa9: {  	[dreg:$0x3] =	wrdreg s5  }
0xaa: {  	[dreg:$0x4] =	wrdreg $0xC0  }
0xab: {  	_ =	task [dreg:s7], $0x5FFFF  }
0xac: {  	[dreg:$0x1] =	wrdreg $0xFFFFFFFF  }
0xad: {  	[dreg:$0x0] =	wrdreg $0x60  }
0xae: {  	[dreg:$0x2] =	wrdreg s2  }
0xaf: {  	[dreg:$0x3] =	wrdreg s24  }
0xb0: {  	[dreg:$0x4] =	wrdreg $0x9  }
0xb1: {  	_ =	task.clear_ibuf [dreg:s7], $0x5FFFF;
	_ =	strace $0x90000046  }
0xb2: {  	s29 =	simm.s32 $0x9;
	_ =	strace $0x80000048  }
0xb3: {  	_ =	swait.ge [sflag:s29], $0x1  }
0xb4: {  	[sflag:s29] =	ssyncadd.s32 $0xFFFFFFFF  }
0xb5: {  	_ =	strace $0x90000048  }
0xb6: {  	_ =	sfence  }
0xb7: {  	s30 =	sld [smem:$0x0];
	_ =	sdelay $0x2  }
0xb8: {  	s31 =	sshll.u32 s1, $0xD;
	s1 =	sshrl.u32 s1, $0x2  }
0xb9: {  	s3 =	sand.u32 $0x4000, s31;
	s1 =	sadd.s32 s1, s30  }
0xba: {  	s0 =	sor.u32 s3, s0;
	s1 =	sshll.u32 s1, $0x11  }
0xbb: {  	s0 =	sor.u32 s1, s0  }
0xbc: {  	s0 =	sadd.s32 $0x8F2B, s0  }
0xbd: {  	[sflag:s0] =	ssyncadd.remote.s32 $0x1  }
0xbe: {  	_ =	sfence.sel $0xFFFF  }
0xbf: {  	[dreg:$0x0] =	wrdreg $0xFFFFFFFF;
	(pc) =	sbr.abs _section_cstart, $3  }
0xc0: {  	[dreg:$0x1] =	wrdreg $0xFFFFFFFF  }
0xc1: {  	_ =	task.clear_ibuf [dreg:s7], $0x2FFFF;
	_ =	strace $0x9FFFFFFF  }
0xc2: {  	(tm) =	ssettm $0x7FFFFFFF  }
0xc3: {  	_ =	shalt  }
tec
execute0_lowered:
.L_overlay_start_1:
0x0: {  	(tag) =	ssettag $0x1  }
0x1: {  	s1 =	srdreg.scid;
	s2 =	rddreg [dreg:$0x0]  }
0x2: {  	s0 =	stileid.u32;
	s8 =	rddreg [dreg:$0x1]  }
0x3: {  	s5 =	simm.s32 $0x1;
	s9 =	simm.s32 $0x1;
	s1 =	sshll.u32 s1, $0x5  }
0x4: {  	s10 =	simm.s32 $0x3;
	s3 =	sshll.u32 s0, $0x6;
	s4 =	sand.u32 $0x20, s1  }
0x5: {  	s13 =	simm.s32 $0x0;
	s12 =	simm.s32 $0x0;
	s3 =	sor.u32 s3, s4  }
0x6: {  	s1 =	rddreg [dreg:$0x2];
	_ =	strace $0x80000047;
	s7 =	ssub.s32 $0x800, s3  }
.Ltmp0:
0x7: {  	s4 =	sadd.s32 $0x200, s8;
	s6 =	sand.u32 $0x3E0, s7;
	(pc) =	sbr.rel .LBB2_1-.Ltmp0, $4  }
0x8: {  	[sflag:s5] =	ssyncpa.u1 $0x0;
	s8 =	sadd.s32 $0x400, s8;
	p0 =	sne.s32 s6, $0x0  }
0x9: {  	s7 =	sshrl.u32 s7, $0xA;
	s6 =	simm.s32 $0x2;
	s9 =	simm.s32 @!p0 $0x0  }
0xa: {  	s11 =	smov.u32 s3;
	[sflag:s6] =	ssyncpa.u1 $0x0;
	s7 =	sadd.s32 s9, s7  }
0xb: {  	vm0 =	vmmov $0xffff;
	[sflag:s10] =	ssyncpa.u1 $0x0;
	s10 =	simm.s32 $0x0;
	s9 =	sadd.s32 $0x1, s7  }
.LBB2_5:
0xc: {  	s15 =	sadd.s32 $0x400, s11  }
0xd: {  	p1 =	sgt.s32 s15, $0x7FF  }
0xe: {  	s15 =	smov.u32 @p1 s3;
	p1 =	sne.s32 s12, s9  }
.Ltmp1:
0xf: {  	p0 =	slt.u32 s12, $0x2;
	(pc) =	sbr.rel @!p1 .LBB2_6-.Ltmp1, $4  }
0x10: {  	s14 =	simm.s32 @!p0 $0x3  }
0x11: {  	_ =	swait.ge @!p0 [sflag:s14], $0x20  }
0x12: {  	s16 =	sadd.s32 $0x1, s12;
	s13 =	smov.u32 s11;
	[sflag:s14] =	ssyncset.done @!p0 $0x0  }
0x13: {  	s12 =	smov.u32 s16;
	s11 =	smov.u32 s15;
	[sflag:s14] =	ssyncadd.s32 @!p0 $0xFFFFFFE0  }
.LBB2_1:
0x14: {  	p0 =	sge.u32 s12, s7  }
0x15: {  	s14 =	sxor.u32 @!p0 $0xFFFFFFFF, s12  }
0x16: {  	s31 =	sadd.s32 $0xFFFFFFFF, s12;
	s15 =	sshrl.u32 @!p0 s11, $0x3;
	s14 =	sshll.u32 @!p0 s14, $0x5  }
0x17: {  	s16 =	sand.u32 @!p0 $0x7, s11;
	s15 =	sadd.s32 @!p0 s4, s15;
	s14 =	sand.u32 @!p0 $0x20, s14  }
0x18: {  	[tilespmem:s14], [sflag:$0x2] =	stream.linear.gather @!p0 [hbm4b:s15+s16], $0x20, $0x38;
	[tilespmem:$0x80] =	vst v63  }
0x19: {  	p0 =	sge.u32 s31, s7  }
.Ltmp2:
0x1a: {  	_ = 	snop;
	(pc) =	sbr.rel @p0 .LBB2_5-.Ltmp2, $1  }
0x1b: {  	_ =	sdelay $0x3  }
0x1c: {  	_ =	swait.ge [sflag:s6], $0x20;
	s14 =	sshll.u32 s12, $0x5;
	s16 =	simm.s32 $0x0  }
0x1d: {  	p0 =	por $0x1, $0x1;
	[sflag:s6] =	ssyncset.done $0x0;
	s15 =	sand.u32 $0x20, s14  }
0x1e: {  	[sflag:s6] =	ssyncadd.s32 $0xFFFFFFE0;
	(ifvalue) =	ssetifvalue $0x7FFFFFFF;
	s14 =	sor.u32 $0x40, s15  }
.LBB2_3:
0x1f: {  	s17 =	sadd.s32 s16, s15  }
0x20: {  	v0 =	vld.msk [tilespmem:s17+$0x0 ss:$0x1], $0xffff;
	_ =	sdelay $0x4  }
0x21: {  	v1 =	vshrl.u32 v0, $0xB;
	v2 =	vshll.u32 v0, $0x7  }
0x22: {  	vm1 =	veq.s32 v0, $0x80000000;
	v61 =	vand.u32 $0x3F, v1;
	v62 =	vand.u32 $0x3FF80, v2  }
0x23: {  	v0 =	vsel vm1, $0xFFFFFFFF, v61;
	v1 =	vsel vm1, $0xFFFFFF80, v62  }
0x24: {  	v63 =	vand.u32 $0xFFFFFC00, v1;
	v3 =	vand.u32 $0xFFFFFC00, v0  }
0x25: {  	v1 =	vand.u32 $0x380, v1;
	v2 =	vadd.s32 v3, v63  }
0x26: {  	v0 =	vand.u32 $0x7F, v0;
	v1 =	vor.u32 v1, v2  }
0x27: {  	p1 =	por p0, p0;
	v0 =	vor.u32 v0, v1  }
.Ltmp3:
0x28: {  	_ = 	snop;
	(pc) =	sbr.rel @p1 .LBB2_3-.Ltmp3, $4  }
0x29: {  	_ = 	snop  }
0x2a: {  	s31 =	sadd.s32 s16, s14  }
0x2b: {  	s16 =	simm.s32 $0x10;
	p0 =	por $0x0, $0x0;
	(ifvalue) =	ssetifvalue $0x7FFFFFFF  }
0x2c: {  	[tilespmem:s31], [sflag:$0x1] =	stream.indirect_vreg.gather [hbm4b:s2+s10], $0x1, v0, vm0, $0x4038;
	[tilespmem:$0x80] =	vst v63  }
.Ltmp4:
0x2d: {  	(pc) =	sbr.rel .LBB2_5-.Ltmp4, $4  }
0x2e: {  	_ =	swait.ge [sflag:s5], $0x20  }
0x2f: {  	s15 =	sshrl.u32 s13, $0x3;
	[sflag:s5] =	ssyncset.done $0x0  }
0x30: {  	s31 =	sand.u32 $0x7, s13;
	s15 =	sadd.s32 s8, s15;
	[sflag:s5] =	ssyncadd.s32 $0xFFFFFFE0  }
0x31: {  	[hbm4b:s15+s31] =	stream.linear.scatter [tilespmem:s14], [sflag:$0x3], $0x20, $0x38;
	[tilespmem:$0x80] =	vst v63  }
.LBB2_6:
0x32: {  	_ =	sfence.sel $0x180000  }
0x33: {  	s2 =	simm.s32 $0x2;
	[bflag:$0x0] =	sbarrier.arrive $0xFFFF  }
0x34: {  	s30 =	simm.s32 $0x3;
	[sflag:s2] =	ssyncpa.u1 $0x1  }
0x35: {  	s31 =	simm.s32 $0x1;
	[sflag:s30] =	ssyncpa.u1 $0x1  }
0x36: {  	[sflag:s31] =	ssyncpa.u1 $0x1  }
0x37: {  	p0 =	sne.s32 s0, $0x0;
	_ =	strace $0x90000047  }
0x38: {  	s0 =	sadd.s32 @!p0 $0x100000, s1;
	[bflag:$0x2] =	sbarrier.arrive $0xFFFF  }
0x39: {  	[sflag:s0] =	ssyncadd.tile.s32 @!p0 $0x1;
	_ =	shalt  }
.Lfunc_end2:
_tile_overlayer_lowered:
.L_overlay_start_2:
0x3a: {  	(tag) =	ssettag $0x2  }
0x3b: {  	s0 =	rddreg [dreg:$0x0];
	s2 =	stileid.u32  }
0x3c: {  	s1 =	rddreg [dreg:$0x1];
	p0 =	sne.s32 s2, $0x0  }
0x3d: {  	s3 =	rddreg [dreg:$0x2];
	[bflag:$0x3] =	sbarrier.arrive $0xFFFF;
	s2 =	simm.s32 @!p0 $0x1C01  }
0x3e: {  	[timem:s3], [sflag:s2] =	dma.local @!p0 [hbm:s0], s1  }
0x3f: {  	s0 =	simm.s32 @!p0 $0x1  }
0x40: {  	_ =	swait.ge @!p0 [sflag:s0], s1  }
0x41: {  	s1 =	ssub.s32 @!p0 $0x0, s1;
	[sflag:s0] =	ssyncset.done @!p0 $0x0  }
0x42: {  	[sflag:s0] =	ssyncadd.s32 @!p0 s1  }
0x43: {  	[bflag:$0x3] =	sbarrier.arrive $0xFFFF  }
0x44: {  	_ =	shalt  }

// kernel: kernel.6.cloned.1.call-start
scs
__scs_entry_jumppad:
0x0: {  	(pc) =	sbr.rel $0x88, $3  }
0x1: {  	(tag) =	ssettag $0x0;
	lr =	simm.s32 $0x1  }
0x2: {  	[smem:$0x3F9B] =	sst lr;
	_ =	strace $0xD0000000  }
0x3: {  	_ = 	snop  }
0x4: {  	_ = 	snop  }
0x5: {  	_ = 	snop  }
0x6: {  	_ = 	snop  }
0x7: {  	_ = 	snop  }
__scs_overlays_trampoline_lowered:
0x8: {  	[smem:$0x3FAA] =	sst s0  }
0x9: {  	[smem:$0x3FAB] =	sst s1  }
0xa: {  	[smem:$0x3FAC] =	sst s2  }
0xb: {  	[smem:$0x3FAD] =	sst s3  }
0xc: {  	[smem:$0x3FAE] =	sst s4  }
0xd: {  	[smem:$0x3FAF] =	sst s5  }
0xe: {  	[smem:$0x3FB0] =	sst s6  }
0xf: {  	[smem:$0x3FB1] =	sst s7  }
0x10: {  	[smem:$0x3FB2] =	sst s8  }
0x11: {  	[smem:$0x3FB3] =	sst s9;
	s0 =	simm.s32 @!p0 $0x0  }
0x12: {  	s1 =	sld [smem:$0x3F99];
	s0 =	simm.s32 @p0 $0x1  }
0x13: {  	[smem:$0x3FB4] =	sst s0;
	s0 =	simm.s32 @!p1 $0x0  }
0x14: {  	s2 =	sld [smem:$0x3F98];
	s0 =	simm.s32 @p1 $0x1  }
0x15: {  	[smem:$0x3FB5] =	sst s0;
	s0 =	simm.s32 @!p2 $0x0  }
0x16: {  	s3 =	sld [smem:$0x3FDB];
	s0 =	simm.s32 @p2 $0x1  }
0x17: {  	s4 =	simm.s32 $0x1BF5;
	[smem:$0x3FB7] =	sst s0  }
0x18: {  	s0 =	sld [smem:$0x3F9A];
	_ =	swait.ge [sflag:s4], $0x0  }
0x19: {  	s7 =	sld [smem:$0x3F9B]  }
0x1a: {  	s8 =	sadd.s32 $0xFFFFE003, lr  }
0x1b: {  	s9 =	sadd.s32 $0xFFFFFEF7, lr;
	s5 =	simm.s32 $0xFFFFFFFF;
	p2 =	slt.u32 s8, $0xFFFFF086  }
0x1c: {  	p1 =	slt.u32 s9, $0xF7A;
	s5 =	simm.s32 @!p2 $0x0  }
0x1d: {  	s5 =	simm.s32 @p1 $0x1;
	p0 =	seq.s32 s7, s2  }
0x1e: {  	s7 =	smul.u32 @!p0 $0xF7A, s2;
	p2 =	seq.s32 @!p0 s5, $0x0  }
0x1f: {  	s9 =	smul.u32 $0xF7A, s1;
	s8 =	simm.s32 @!p0 $0x1BF5;
	p2 =	por !p2, p0  }
0x20: {  	[sflag:s8] =	ssyncset.s32 @!p0 $0xFFFFF086;
	s6 =	sadd.s32 @!p0 s3, s7;
	s7 =	simm.s32 @!p0 $0x108  }
0x21: {  	s3 =	sadd.s32 s3, s9;
	s6 =	sadd.s32 @!p0 $0x88, s6;
	s7 =	simm.s32 @p2 $0x1082  }
0x22: {  	[simem:s7], [sflag:s8] =	dma.local @!p0 [hbm:s6], $0xF7A  }
0x23: {  	s9 =	sor.u32 $0xD0000000, s2;
	s6 =	simm.s32 $0x108;
	_ =	swait.ge @!p0 [sflag:s8], $0x0  }
0x24: {  	s3 =	sadd.s32 $0x88, s3;
	s6 =	simm.s32 @!p1 $0x1082;
	[sflag:s4] =	ssyncset.s32 $0xFFFFF086  }
0x25: {  	[simem:s6], [sflag:s4] =	dma.local [hbm:s3], $0xF7A  }
0x26: {  	[smem:$0x3F9B] =	sst s1;
	(tag) =	ssettag s2;
	_ =	strace s9  }
0x27: {  	s1 =	sld [smem:$0x3FAB]  }
0x28: {  	s2 =	sld [smem:$0x3FAC]  }
0x29: {  	s4 =	sld [smem:$0x3FAE]  }
0x2a: {  	p0 =	seq.s32 s5, $0x0;
	s5 =	sld [smem:$0x3FAF]  }
0x2b: {  	s6 =	sld [smem:$0x3FB0]  }
0x2c: {  	s7 =	sld [smem:$0x3FB1]  }
0x2d: {  	s3 =	simm.s32 $0x108;
	s8 =	sld [smem:$0x3FB2]  }
0x2e: {  	s3 =	simm.s32 @!p0 $0x1082;
	s9 =	sld [smem:$0x3FB3]  }
0x2f: {  	lr =	sadd.s32 s0, s3;
	s0 =	sld [smem:$0x3FAA]  }
0x30: {  	s3 =	sld [smem:$0x3FAD]  }
0x31: {  	[smem:$0x3FB6] =	sst s10  }
0x32: {  	s10 =	sld [smem:$0x3FB4];
	_ =	sdelay $0x3  }
0x33: {  	p0 =	seq.s32 s10, $0x1;
	s10 =	sld [smem:$0x3FB6];
	_ =	sdelay $0x3  }
0x34: {  	[smem:$0x3FB6] =	sst s10  }
0x35: {  	s10 =	sld [smem:$0x3FB5];
	_ =	sdelay $0x3  }
0x36: {  	p1 =	seq.s32 s10, $0x1;
	s10 =	sld [smem:$0x3FB6];
	_ =	sdelay $0x3  }
0x37: {  	[smem:$0x3FB6] =	sst s10  }
0x38: {  	s10 =	sld [smem:$0x3FB7]  }
0x39: {  	_ = 	snop;
	(pc) =	sbr.ind lr, $3  }
0x3a: {  	_ = 	snop  }
0x3b: {  	_ = 	snop  }
0x3c: {  	p2 =	seq.s32 s10, $0x1;
	s10 =	sld [smem:$0x3FB6]  }
0x3d: {  	_ =	shalt  }
0x3e: {  	_ =	shalt  }
0x3f: {  	_ =	shalt  }
0x40: {  	_ =	shalt  }
0x41: {  	_ =	shalt  }
0x42: {  	_ =	shalt  }
0x43: {  	_ =	shalt  }
0x44: {  	_ =	shalt  }
0x45: {  	_ =	shalt  }
0x46: {  	_ =	shalt  }
0x47: {  	_ =	shalt  }
0x48: {  	_ =	shalt  }
0x49: {  	_ =	shalt  }
0x4a: {  	_ =	shalt  }
0x4b: {  	_ =	shalt  }
0x4c: {  	_ =	shalt  }
0x4d: {  	_ =	shalt  }
0x4e: {  	_ =	shalt  }
0x4f: {  	_ =	shalt  }
0x50: {  	_ =	shalt  }
0x51: {  	_ =	shalt  }
0x52: {  	_ =	shalt  }
0x53: {  	_ =	shalt  }
0x54: {  	_ =	shalt  }
0x55: {  	_ =	shalt  }
0x56: {  	_ =	shalt  }
0x57: {  	_ =	shalt  }
0x58: {  	_ =	shalt  }
0x59: {  	_ =	shalt  }
0x5a: {  	_ =	shalt  }
0x5b: {  	_ =	shalt  }
0x5c: {  	_ =	shalt  }
0x5d: {  	_ =	shalt  }
0x5e: {  	_ =	shalt  }
0x5f: {  	_ =	shalt  }
0x60: {  	_ =	shalt  }
0x61: {  	_ =	shalt  }
0x62: {  	_ =	shalt  }
0x63: {  	_ =	shalt  }
0x64: {  	_ =	shalt  }
0x65: {  	_ =	shalt  }
0x66: {  	_ =	shalt  }
0x67: {  	_ =	shalt  }
0x68: {  	_ =	shalt  }
0x69: {  	_ =	shalt  }
0x6a: {  	_ =	shalt  }
0x6b: {  	_ =	shalt  }
0x6c: {  	_ =	shalt  }
0x6d: {  	_ =	shalt  }
0x6e: {  	_ =	shalt  }
0x6f: {  	_ =	shalt  }
0x70: {  	_ =	shalt  }
0x71: {  	_ =	shalt  }
0x72: {  	_ =	shalt  }
0x73: {  	_ =	shalt  }
0x74: {  	_ =	shalt  }
0x75: {  	_ =	shalt  }
0x76: {  	_ =	shalt  }
0x77: {  	_ =	shalt  }
0x78: {  	_ =	shalt  }
0x79: {  	_ =	shalt  }
0x7a: {  	_ =	shalt  }
0x7b: {  	_ =	shalt  }
0x7c: {  	_ =	shalt  }
0x7d: {  	_ =	shalt  }
0x7e: {  	_ =	shalt  }
0x7f: {  	_ =	shalt  }
0x80: {  	_ =	shalt  }
0x81: {  	_ =	shalt  }
0x82: {  	_ =	shalt  }
0x83: {  	_ =	shalt  }
0x84: {  	_ =	shalt  }
0x85: {  	_ =	shalt  }
0x86: {  	_ =	shalt  }
0x87: {  	_ =	shalt  }
.Lfunc_end0:
.L_simem_size_0:
called_computation.1_lowered:
.L_overlay_start_0:
0x88: {  	s2 =	sld [smem:$0x3FD9]  }
0x89: {  	s3 =	sld [smem:$0x3FFE];
	_ =	sdelay $0x1  }
0x8a: {  	s1 =	srdreg.scid  }
0x8b: {  	s0 =	sand.u32 $0x1, s1  }
0x8c: {  	s17 =	sshll.u32 s0, $0xA;
	s2 =	sadd.s32 s3, s2  }
0x8d: {  	s2 =	sadd.s32 s2, s17  }
0x8e: {  	[smem:$0x3FC2] =	sst s2  }
0x8f: {  	_ = 	snop  }
0x90: {  	s2 =	sld [smem:$0x3FC9];
	(tm) =	ssettm $0x1  }
0x91: {  	s18 =	sld [smem:$0x3FFB];
	_ =	sdelay $0x3  }
0x92: {  	_ =	strace s18  }
0x93: {  	s3 =	sld [smem:$0x3FFC];
	_ =	sdelay $0x3  }
0x94: {  	_ =	strace s3  }
0x95: {  	s3 =	sld [smem:$0x3FFD];
	_ =	sdelay $0x3  }
0x96: {  	_ =	strace s3  }
0x97: {  	_ =	strace $0x8FFFFFFF  }
0x98: {  	s19 =	sld [smem:$0x3FDB];
	_ =	sdelay $0x1  }
0x99: {  	s4 =	simm.s32 $_scs_section_size  }
0x9a: {  	s5 =	simm.s32 $_size__tile_overlayer_lowered;
	s6 =	simm.s32 $_tile_overlayer_lowered  }
0x9b: {  	s22 =	simm.s32 $0x1BFF;
	s21 =	sshll.u32 s6, $0x1;
	s3 =	sadd.s32 s4, s19  }
0x9c: {  	s7 =	simm.s32 $0x0;
	s20 =	sshll.u32 s5, $0x1;
	s5 =	sadd.s32 s21, s3  }
0x9d: {  	[timem:s7], [sflag:s22] =	dma.local [hbm:s5], s20  }
0x9e: {  	_ =	swait.ge [sflag:s22], s20  }
0x9f: {  	s4 =	ssub.s32 $0x0, s20;
	[sflag:s22] =	ssyncset.done $0x0  }
0xa0: {  	[sflag:s22] =	ssyncadd.s32 s4;
	_ =	sdelay $0x1  }
0xa1: {  	s23 =	simm.s32 $0x1B8B  }
0xa2: {  	_ =	swait.ge [sflag:s23], $0x1  }
0xa3: {  	[sflag:s23] =	ssyncset.done $0x0  }
0xa4: {  	s25 =	simm.s32 $0x1B8E;
	s24 =	sld [smem:$0x3FFE];
	[sflag:s23] =	ssyncadd.s32 $0xFFFFFFFF  }
0xa5: {  	s26 =	simm.s32 $execute0_lowered;
	[smem:$0x3FD2] =	sst s25  }
0xa6: {  	s5 =	sshll.u32 s26, $0x1;
	_ =	strace $0x80000049;
	[dreg:$0x1] =	wrdreg $0xFFFFFFFF  }
0xa7: {  	s28 =	simm.s32 $_size_execute0_lowered;
	s3 =	sadd.s32 s3, s5;
	[dreg:$0x0] =	wrdreg $0x0  }
0xa8: {  	s5 =	sshll.u32 s28, $0x1;
	[dreg:$0x2] =	wrdreg s3  }
0xa9: {  	[dreg:$0x3] =	wrdreg s5  }
0xaa: {  	[dreg:$0x4] =	wrdreg $0xC0  }
0xab: {  	_ =	task [dreg:s7], $0x5FFFF  }
0xac: {  	[dreg:$0x1] =	wrdreg $0xFFFFFFFF  }
0xad: {  	[dreg:$0x0] =	wrdreg $0x60  }
0xae: {  	[dreg:$0x2] =	wrdreg s2  }
0xaf: {  	[dreg:$0x3] =	wrdreg s24  }
0xb0: {  	[dreg:$0x4] =	wrdreg $0x9  }
0xb1: {  	_ =	task.clear_ibuf [dreg:s7], $0x5FFFF;
	_ =	strace $0x90000049  }
0xb2: {  	s29 =	simm.s32 $0x9;
	_ =	strace $0x8000004B  }
0xb3: {  	_ =	swait.ge [sflag:s29], $0x1  }
0xb4: {  	[sflag:s29] =	ssyncadd.s32 $0xFFFFFFFF  }
0xb5: {  	_ =	strace $0x9000004B  }
0xb6: {  	_ =	sfence  }
0xb7: {  	s30 =	sld [smem:$0x0];
	_ =	sdelay $0x2  }
0xb8: {  	s31 =	sshll.u32 s1, $0xD;
	s1 =	sshrl.u32 s1, $0x2  }
0xb9: {  	s3 =	sand.u32 $0x4000, s31;
	s1 =	sadd.s32 s1, s30  }
0xba: {  	s0 =	sor.u32 s3, s0;
	s1 =	sshll.u32 s1, $0x11  }
0xbb: {  	s0 =	sor.u32 s1, s0  }
0xbc: {  	s0 =	sadd.s32 $0x8F2B, s0  }
0xbd: {  	[sflag:s0] =	ssyncadd.remote.s32 $0x1  }
0xbe: {  	_ =	sfence.sel $0xFFFF  }
0xbf: {  	[dreg:$0x0] =	wrdreg $0xFFFFFFFF;
	(pc) =	sbr.abs _section_cstart, $3  }
0xc0: {  	[dreg:$0x1] =	wrdreg $0xFFFFFFFF  }
0xc1: {  	_ =	task.clear_ibuf [dreg:s7], $0x2FFFF;
	_ =	strace $0x9FFFFFFF  }
0xc2: {  	(tm) =	ssettm $0x7FFFFFFF  }
0xc3: {  	_ =	shalt  }
tec
execute0_lowered:
.L_overlay_start_1:
0x0: {  	(tag) =	ssettag $0x1  }
0x1: {  	s0 =	srdreg.scid;
	s14 =	rddreg [dreg:$0x0]  }
0x2: {  	s1 =	stileid.u32;
	s4 =	rddreg [dreg:$0x1]  }
0x3: {  	s3 =	simm.s32 $0x0;
	s28 =	simm.s32 $0xE900;
	s29 =	simm.s32 $0xF100  }
0x4: {  	s31 =	simm.s32 $0xF900;
	s0 =	sand.u32 $0x1, s0;
	s1 =	sshll.u32 s1, $0x1  }
0x5: {  	[smem:$0x7FF] =	sst s3;
	s10 =	sadd.s32 $0x400, s4;
	s11 =	sadd.s32 $0x600, s4  }
0x6: {  	s4 =	sadd.s32 $0x100, s14;
	s1 =	sor.u32 s0, s1;
	s0 =	ssub.s32 $0x2, s0  }
0x7: {  	s7 =	sadd.s32 $0x400, s14;
	s9 =	smul.u32 $0x50, s1;
	s6 =	sshrl.u32 s0, $0x1  }
0x8: {  	_ =	strace $0x8000004A;
	s1 =	smul.u32 $0x5000, s1;
	s0 =	ssub.s32 s0, s6  }
0x9: {  	s6 =	sadd.s32 $0x300, s14;
	s5 =	sshrl.u32 s9, $0x3;
	s8 =	sadd.s32 $0x10, s9  }
0xa: {  	s13 =	sadd.s32 $0x20, s9;
	s1 =	sadd.s32 s11, s1;
	s19 =	sadd.s32 $0x30, s9  }
0xb: {  	s9 =	sadd.s32 $0x40, s9;
	s5 =	sadd.s32 s10, s5;
	s12 =	sshrl.u32 s8, $0x3  }
0xc: {  	s16 =	sshrl.u32 s13, $0x3;
	[dreg:$0x5] =	wrdreg s1;
	s8 =	sshll.u32 s8, $0x8  }
0xd: {  	s20 =	sshrl.u32 s19, $0x3;
	s13 =	sshll.u32 s13, $0x8;
	s22 =	sshrl.u32 s9, $0x3  }
0xe: {  	s24 =	sshll.u32 s19, $0x8;
	s26 =	sshll.u32 s9, $0x8;
	s9 =	sadd.s32 $0x600, s14  }
0xf: {  	s19 =	simm.s32 $0xA900;
	[dreg:$0x3] =	wrdreg s5;
	s5 =	sadd.s32 $0x200, s14  }
0x10: {  	s12 =	sadd.s32 s10, s12;
	s17 =	sadd.s32 s10, s16;
	s18 =	sadd.s32 s11, s8  }
0x11: {  	s8 =	sadd.s32 $0x500, s14;
	s1 =	sadd.s32 s10, s20;
	[dreg:$0x4] =	wrdreg s12  }
0x12: {  	s21 =	sadd.s32 s11, s13;
	s23 =	sadd.s32 s10, s22;
	[dreg:$0x6] =	wrdreg s17  }
0x13: {  	s25 =	sadd.s32 s11, s24;
	s30 =	sadd.s32 s11, s26;
	[dreg:$0x7] =	wrdreg s18  }
0x14: {  	s10 =	sadd.s32 $0x700, s14;
	s11 =	smax.u32 s0, $0x1;
	[dreg:$0x8] =	wrdreg s1  }
0x15: {  	s0 =	simm.s32 $0x100;
	s13 =	simm.s32 $0x8100;
	[dreg:$0x9] =	wrdreg s21  }
0x16: {  	s16 =	simm.s32 $0x9100;
	s20 =	simm.s32 $0xB100;
	[dreg:$0xa] =	wrdreg s23  }
0x17: {  	s22 =	simm.s32 $0xC100;
	s24 =	simm.s32 $0xD100;
	[dreg:$0xb] =	wrdreg s25  }
0x18: {  	v2 =	vlaneseq.u32;
	s26 =	simm.s32 $0xE100;
	[dreg:$0xc] =	wrdreg s30;
	s12 =	simm.s32 $0x3  }
0x19: {  	vm0 =	vmmov $0xffff;
	v1 =	vshrl.u32 v2, $0x3;
	s1 =	simm.s32 $0x1;
	s17 =	simm.s32 $0x9900;
	s18 =	simm.s32 $0xA100  }
0x1a: {  	v0 =	vand.u32 $0x7, v2;
	v2 =	vor.u32 $0x8, v2;
	v1 =	vmul.u32 $0x8, v1;
	s21 =	simm.s32 $0xB900;
	s23 =	simm.s32 $0xC900;
	s25 =	simm.s32 $0xD900  }
.LBB2_1:
0x1b: {  	s30 =	rddreg [dreg:$0x3]  }
0x1c: {  	[tilespmem:s3], [sflag:$0x3] =	stream.linear.gather [hbm4b:s30+s3], $0x10, $0x38;
	[tilespmem:$0x10100] =	vst v63  }
0x1d: {  	_ =	swait.ge [sflag:s12], $0x10  }
0x1e: {  	[sflag:s12] =	ssyncset.done $0x0  }
0x1f: {  	[sflag:s12] =	ssyncadd.s32 $0xFFFFFFF0  }
0x20: {  	v3 =	vld [tilespmem:$0x0];
	_ =	sdelay $0x4  }
0x21: {  	v4 =	vshll.u32 v3, $0x4  }
0x22: {  	v3 =	vand.u32 $0x7, v3;
	v4 =	vand.u32 $0xFFFFFF80, v4  }
0x23: {  	v3 =	vor.u32 v3, v4  }
0x24: {  	v4 =	vperm.xlane v3, v0;
	_ =	sdelay $0x1  }
0x25: {  	v4 =	vadd.s32 v1, v4;
	_ =	sdelay $0x4  }
0x26: {  	[tilespmem:s0], [sflag:$0x1] =	stream.indirect_vreg.gather [hbm4b:s14+s3], $0x80, v4, vm0, $0xb8;
	[tilespmem:$0x10100] =	vst v63  }
0x27: {  	s2 =	simm.s32 $0x900  }
0x28: {  	[tilespmem:s2], [sflag:$0x1] =	stream.indirect_vreg.gather [hbm4b:s4+s3], $0x80, v4, vm0, $0xb8;
	[tilespmem:$0x10100] =	vst v63  }
0x29: {  	s30 =	simm.s32 $0x1100  }
0x2a: {  	[tilespmem:s30], [sflag:$0x1] =	stream.indirect_vreg.gather [hbm4b:s5+s3], $0x80, v4, vm0, $0xb8;
	[tilespmem:$0x10100] =	vst v63  }
0x2b: {  	s15 =	simm.s32 $0x1900  }
0x2c: {  	[tilespmem:s15], [sflag:$0x1] =	stream.indirect_vreg.gather [hbm4b:s6+s3], $0x80, v4, vm0, $0xb8;
	[tilespmem:$0x10100] =	vst v63  }
0x2d: {  	s30 =	simm.s32 $0x2100  }
0x2e: {  	[tilespmem:s30], [sflag:$0x1] =	stream.indirect_vreg.gather [hbm4b:s7+s3], $0x80, v4, vm0, $0xb8;
	[tilespmem:$0x10100] =	vst v63  }
0x2f: {  	v3 =	vperm.xlane v3, v2;
	s15 =	simm.s32 $0x2900  }
0x30: {  	[tilespmem:s15], [sflag:$0x1] =	stream.indirect_vreg.gather [hbm4b:s8+s3], $0x80, v4, vm0, $0xb8;
	[tilespmem:$0x10100] =	vst v63  }
0x31: {  	v3 =	vadd.s32 v1, v3;
	s30 =	simm.s32 $0x3100  }
0x32: {  	[tilespmem:s30], [sflag:$0x1] =	stream.indirect_vreg.gather [hbm4b:s9+s3], $0x80, v4, vm0, $0xb8;
	[tilespmem:$0x10100] =	vst v63  }
0x33: {  	s15 =	simm.s32 $0x3900  }
0x34: {  	[tilespmem:s15], [sflag:$0x1] =	stream.indirect_vreg.gather [hbm4b:s10+s3], $0x80, v4, vm0, $0xb8;
	[tilespmem:$0x10100] =	vst v63  }
0x35: {  	s30 =	simm.s32 $0x4100  }
0x36: {  	[tilespmem:s30], [sflag:$0x1] =	stream.indirect_vreg.gather [hbm4b:s14+s3], $0x80, v3, vm0, $0xb8;
	[tilespmem:$0x10100] =	vst v63  }
0x37: {  	s15 =	simm.s32 $0x4900  }
0x38: {  	[tilespmem:s15], [sflag:$0x1] =	stream.indirect_vreg.gather [hbm4b:s4+s3], $0x80, v3, vm0, $0xb8;
	[tilespmem:$0x10100] =	vst v63  }
0x39: {  	s30 =	simm.s32 $0x5100  }
0x3a: {  	[tilespmem:s30], [sflag:$0x1] =	stream.indirect_vreg.gather [hbm4b:s5+s3], $0x80, v3, vm0, $0xb8;
	[tilespmem:$0x10100] =	vst v63  }
0x3b: {  	s15 =	simm.s32 $0x5900  }
0x3c: {  	[tilespmem:s15], [sflag:$0x1] =	stream.indirect_vreg.gather [hbm4b:s6+s3], $0x80, v3, vm0, $0xb8;
	[tilespmem:$0x10100] =	vst v63  }
0x3d: {  	s30 =	simm.s32 $0x6100  }
0x3e: {  	[tilespmem:s30], [sflag:$0x1] =	stream.indirect_vreg.gather [hbm4b:s7+s3], $0x80, v3, vm0, $0xb8;
	[tilespmem:$0x10100] =	vst v63  }
0x3f: {  	s15 =	simm.s32 $0x6900  }
0x40: {  	[tilespmem:s15], [sflag:$0x1] =	stream.indirect_vreg.gather [hbm4b:s8+s3], $0x80, v3, vm0, $0xb8;
	[tilespmem:$0x10100] =	vst v63  }
0x41: {  	s30 =	simm.s32 $0x7100  }
0x42: {  	[tilespmem:s30], [sflag:$0x1] =	stream.indirect_vreg.gather [hbm4b:s9+s3], $0x80, v3, vm0, $0xb8;
	[tilespmem:$0x10100] =	vst v63  }
0x43: {  	s15 =	simm.s32 $0x7900  }
0x44: {  	[tilespmem:s15], [sflag:$0x1] =	stream.indirect_vreg.gather [hbm4b:s10+s3], $0x80, v3, vm0, $0xb8;
	[tilespmem:$0x10100] =	vst v63  }
0x45: {  	s30 =	rddreg [dreg:$0x4];
	s15 =	simm.s32 $0x80  }
0x46: {  	[tilespmem:s15], [sflag:$0x3] =	stream.linear.gather [hbm4b:s30+s3], $0x10, $0x38;
	[tilespmem:$0x10100] =	vst v63  }
0x47: {  	_ =	swait.ge [sflag:s12], $0x10  }
0x48: {  	[sflag:s12] =	ssyncset.done $0x0  }
0x49: {  	[sflag:s12] =	ssyncadd.s32 $0xFFFFFFF0  }
0x4a: {  	v3 =	vld [tilespmem:$0x80];
	_ =	sdelay $0x4  }
0x4b: {  	v60 =	vshll.u32 v3, $0x4  }
0x4c: {  	v3 =	vand.u32 $0x7, v3;
	v4 =	vand.u32 $0xFFFFFF80, v60  }
0x4d: {  	v3 =	vor.u32 v3, v4  }
0x4e: {  	v4 =	vperm.xlane v3, v0;
	_ =	sdelay $0x1  }
0x4f: {  	v4 =	vadd.s32 v1, v4;
	_ =	sdelay $0x4  }
0x50: {  	[tilespmem:s13], [sflag:$0x2] =	stream.indirect_vreg.gather [hbm4b:s14+s3], $0x80, v4, vm0, $0xb8;
	[tilespmem:$0x10100] =	vst v63  }
0x51: {  	s30 =	simm.s32 $0x8900  }
0x52: {  	[tilespmem:s30], [sflag:$0x2] =	stream.indirect_vreg.gather [hbm4b:s4+s3], $0x80, v4, vm0, $0xb8;
	[tilespmem:$0x10100] =	vst v63  }
0x53: {  	_ = 	snop  }
0x54: {  	[tilespmem:s16], [sflag:$0x2] =	stream.indirect_vreg.gather [hbm4b:s5+s3], $0x80, v4, vm0, $0xb8;
	[tilespmem:$0x10100] =	vst v63  }
0x55: {  	_ = 	snop  }
0x56: {  	[tilespmem:s17], [sflag:$0x2] =	stream.indirect_vreg.gather [hbm4b:s6+s3], $0x80, v4, vm0, $0xb8;
	[tilespmem:$0x10100] =	vst v63  }
0x57: {  	_ = 	snop  }
0x58: {  	[tilespmem:s18], [sflag:$0x2] =	stream.indirect_vreg.gather [hbm4b:s7+s3], $0x80, v4, vm0, $0xb8;
	[tilespmem:$0x10100] =	vst v63  }
0x59: {  	v3 =	vperm.xlane v3, v2  }
0x5a: {  	[tilespmem:s19], [sflag:$0x2] =	stream.indirect_vreg.gather [hbm4b:s8+s3], $0x80, v4, vm0, $0xb8;
	[tilespmem:$0x10100] =	vst v63  }
0x5b: {  	v3 =	vadd.s32 v1, v3  }
0x5c: {  	[tilespmem:s20], [sflag:$0x2] =	stream.indirect_vreg.gather [hbm4b:s9+s3], $0x80, v4, vm0, $0xb8;
	[tilespmem:$0x10100] =	vst v63  }
0x5d: {  	_ = 	snop  }
0x5e: {  	[tilespmem:s21], [sflag:$0x2] =	stream.indirect_vreg.gather [hbm4b:s10+s3], $0x80, v4, vm0, $0xb8;
	[tilespmem:$0x10100] =	vst v63  }
0x5f: {  	_ = 	snop  }
0x60: {  	[tilespmem:s22], [sflag:$0x2] =	stream.indirect_vreg.gather [hbm4b:s14+s3], $0x80, v3, vm0, $0xb8;
	[tilespmem:$0x10100] =	vst v63  }
0x61: {  	_ = 	snop  }
0x62: {  	[tilespmem:s23], [sflag:$0x2] =	stream.indirect_vreg.gather [hbm4b:s4+s3], $0x80, v3, vm0, $0xb8;
	[tilespmem:$0x10100] =	vst v63  }
0x63: {  	_ = 	snop  }
0x64: {  	[tilespmem:s24], [sflag:$0x2] =	stream.indirect_vreg.gather [hbm4b:s5+s3], $0x80, v3, vm0, $0xb8;
	[tilespmem:$0x10100] =	vst v63  }
0x65: {  	_ = 	snop  }
0x66: {  	[tilespmem:s25], [sflag:$0x2] =	stream.indirect_vreg.gather [hbm4b:s6+s3], $0x80, v3, vm0, $0xb8;
	[tilespmem:$0x10100] =	vst v63  }
0x67: {  	_ = 	snop  }
0x68: {  	[tilespmem:s26], [sflag:$0x2] =	stream.indirect_vreg.gather [hbm4b:s7+s3], $0x80, v3, vm0, $0xb8;
	[tilespmem:$0x10100] =	vst v63  }
0x69: {  	_ = 	snop  }
0x6a: {  	[tilespmem:s28], [sflag:$0x2] =	stream.indirect_vreg.gather [hbm4b:s8+s3], $0x80, v3, vm0, $0xb8;
	[tilespmem:$0x10100] =	vst v63  }
0x6b: {  	_ = 	snop  }
0x6c: {  	[tilespmem:s29], [sflag:$0x2] =	stream.indirect_vreg.gather [hbm4b:s9+s3], $0x80, v3, vm0, $0xb8;
	[tilespmem:$0x10100] =	vst v63  }
0x6d: {  	_ = 	snop  }
0x6e: {  	[tilespmem:s31], [sflag:$0x2] =	stream.indirect_vreg.gather [hbm4b:s10+s3], $0x80, v3, vm0, $0xb8;
	[tilespmem:$0x10100] =	vst v63  }
0x6f: {  	_ =	swait.ge [sflag:s1], $0x8000  }
0x70: {  	[sflag:s1] =	ssyncset.done $0x0  }
0x71: {  	s2 =	rddreg [dreg:$0x5];
	[sflag:s1] =	ssyncadd.s32 $0xFFFF8000  }
0x72: {  	[hbm4b:s2+s3] =	stream.linear.scatter [tilespmem:s0], [sflag:$0x3], $0x8000, $0x38;
	[tilespmem:$0x10100] =	vst v63  }
0x73: {  	_ =	swait.ge [sflag:s12], $0x8000  }
0x74: {  	[sflag:s12] =	ssyncset.done $0x0  }
0x75: {  	s15 =	rddreg [dreg:$0x6];
	[sflag:s12] =	ssyncadd.s32 $0xFFFF8000  }
0x76: {  	[tilespmem:s3], [sflag:$0x3] =	stream.linear.gather [hbm4b:s15+s3], $0x10, $0x38;
	[tilespmem:$0x10100] =	vst v63  }
0x77: {  	_ =	swait.ge [sflag:s12], $0x10  }
0x78: {  	[sflag:s12] =	ssyncset.done $0x0  }
0x79: {  	[sflag:s12] =	ssyncadd.s32 $0xFFFFFFF0  }
0x7a: {  	v3 =	vld [tilespmem:$0x0];
	_ =	sdelay $0x4  }
0x7b: {  	v61 =	vshll.u32 v3, $0x4  }
0x7c: {  	v3 =	vand.u32 $0x7, v3;
	v4 =	vand.u32 $0xFFFFFF80, v61  }
0x7d: {  	v3 =	vor.u32 v3, v4  }
0x7e: {  	v4 =	vperm.xlane v3, v0;
	_ =	sdelay $0x1  }
0x7f: {  	v4 =	vadd.s32 v1, v4;
	_ =	sdelay $0x4  }
0x80: {  	[tilespmem:s0], [sflag:$0x1] =	stream.indirect_vreg.gather [hbm4b:s14+s3], $0x80, v4, vm0, $0xb8;
	[tilespmem:$0x10100] =	vst v63  }
0x81: {  	s30 =	simm.s32 $0x900  }
0x82: {  	[tilespmem:s30], [sflag:$0x1] =	stream.indirect_vreg.gather [hbm4b:s4+s3], $0x80, v4, vm0, $0xb8;
	[tilespmem:$0x10100] =	vst v63  }
0x83: {  	s15 =	simm.s32 $0x1100  }
0x84: {  	[tilespmem:s15], [sflag:$0x1] =	stream.indirect_vreg.gather [hbm4b:s5+s3], $0x80, v4, vm0, $0xb8;
	[tilespmem:$0x10100] =	vst v63  }
0x85: {  	s30 =	simm.s32 $0x1900  }
0x86: {  	[tilespmem:s30], [sflag:$0x1] =	stream.indirect_vreg.gather [hbm4b:s6+s3], $0x80, v4, vm0, $0xb8;
	[tilespmem:$0x10100] =	vst v63  }
0x87: {  	s15 =	simm.s32 $0x2100  }
0x88: {  	[tilespmem:s15], [sflag:$0x1] =	stream.indirect_vreg.gather [hbm4b:s7+s3], $0x80, v4, vm0, $0xb8;
	[tilespmem:$0x10100] =	vst v63  }
0x89: {  	v3 =	vperm.xlane v3, v2;
	s30 =	simm.s32 $0x2900  }
0x8a: {  	[tilespmem:s30], [sflag:$0x1] =	stream.indirect_vreg.gather [hbm4b:s8+s3], $0x80, v4, vm0, $0xb8;
	[tilespmem:$0x10100] =	vst v63  }
0x8b: {  	v3 =	vadd.s32 v1, v3;
	s15 =	simm.s32 $0x3100  }
0x8c: {  	[tilespmem:s15], [sflag:$0x1] =	stream.indirect_vreg.gather [hbm4b:s9+s3], $0x80, v4, vm0, $0xb8;
	[tilespmem:$0x10100] =	vst v63  }
0x8d: {  	s30 =	simm.s32 $0x3900  }
0x8e: {  	[tilespmem:s30], [sflag:$0x1] =	stream.indirect_vreg.gather [hbm4b:s10+s3], $0x80, v4, vm0, $0xb8;
	[tilespmem:$0x10100] =	vst v63  }
0x8f: {  	s15 =	simm.s32 $0x4100  }
0x90: {  	[tilespmem:s15], [sflag:$0x1] =	stream.indirect_vreg.gather [hbm4b:s14+s3], $0x80, v3, vm0, $0xb8;
	[tilespmem:$0x10100] =	vst v63  }
0x91: {  	s30 =	simm.s32 $0x4900  }
0x92: {  	[tilespmem:s30], [sflag:$0x1] =	stream.indirect_vreg.gather [hbm4b:s4+s3], $0x80, v3, vm0, $0xb8;
	[tilespmem:$0x10100] =	vst v63  }
0x93: {  	s15 =	simm.s32 $0x5100  }
0x94: {  	[tilespmem:s15], [sflag:$0x1] =	stream.indirect_vreg.gather [hbm4b:s5+s3], $0x80, v3, vm0, $0xb8;
	[tilespmem:$0x10100] =	vst v63  }
0x95: {  	s30 =	simm.s32 $0x5900  }
0x96: {  	[tilespmem:s30], [sflag:$0x1] =	stream.indirect_vreg.gather [hbm4b:s6+s3], $0x80, v3, vm0, $0xb8;
	[tilespmem:$0x10100] =	vst v63  }
0x97: {  	s15 =	simm.s32 $0x6100  }
0x98: {  	[tilespmem:s15], [sflag:$0x1] =	stream.indirect_vreg.gather [hbm4b:s7+s3], $0x80, v3, vm0, $0xb8;
	[tilespmem:$0x10100] =	vst v63  }
0x99: {  	s30 =	simm.s32 $0x6900  }
0x9a: {  	[tilespmem:s30], [sflag:$0x1] =	stream.indirect_vreg.gather [hbm4b:s8+s3], $0x80, v3, vm0, $0xb8;
	[tilespmem:$0x10100] =	vst v63  }
0x9b: {  	s15 =	simm.s32 $0x7100  }
0x9c: {  	[tilespmem:s15], [sflag:$0x1] =	stream.indirect_vreg.gather [hbm4b:s9+s3], $0x80, v3, vm0, $0xb8;
	[tilespmem:$0x10100] =	vst v63  }
0x9d: {  	s2 =	simm.s32 $0x2;
	s30 =	simm.s32 $0x7900  }
0x9e: {  	[tilespmem:s30], [sflag:$0x1] =	stream.indirect_vreg.gather [hbm4b:s10+s3], $0x80, v3, vm0, $0xb8;
	[tilespmem:$0x10100] =	vst v63  }
0x9f: {  	_ =	swait.ge [sflag:s2], $0x8000  }
0xa0: {  	[sflag:s2] =	ssyncset.done $0x0  }
0xa1: {  	s15 =	rddreg [dreg:$0x7];
	[sflag:s2] =	ssyncadd.s32 $0xFFFF8000  }
0xa2: {  	[hbm4b:s15+s3] =	stream.linear.scatter [tilespmem:s13], [sflag:$0x3], $0x8000, $0x38;
	[tilespmem:$0x10100] =	vst v63  }
0xa3: {  	_ =	swait.ge [sflag:s12], $0x8000  }
0xa4: {  	[sflag:s12] =	ssyncset.done $0x0  }
0xa5: {  	s15 =	simm.s32 $0x80;
	s30 =	rddreg [dreg:$0x8];
	[sflag:s12] =	ssyncadd.s32 $0xFFFF8000  }
0xa6: {  	[tilespmem:s15], [sflag:$0x3] =	stream.linear.gather [hbm4b:s30+s3], $0x10, $0x38;
	[tilespmem:$0x10100] =	vst v63  }
0xa7: {  	_ =	swait.ge [sflag:s12], $0x10  }
0xa8: {  	[sflag:s12] =	ssyncset.done $0x0  }
0xa9: {  	[sflag:s12] =	ssyncadd.s32 $0xFFFFFFF0  }
0xaa: {  	v3 =	vld [tilespmem:$0x80];
	_ =	sdelay $0x4  }
0xab: {  	v62 =	vshll.u32 v3, $0x4  }
0xac: {  	v3 =	vand.u32 $0x7, v3;
	v4 =	vand.u32 $0xFFFFFF80, v62  }
0xad: {  	v3 =	vor.u32 v3, v4  }
0xae: {  	v4 =	vperm.xlane v3, v0;
	_ =	sdelay $0x1  }
0xaf: {  	v4 =	vadd.s32 v1, v4;
	_ =	sdelay $0x4  }
0xb0: {  	[tilespmem:s13], [sflag:$0x2] =	stream.indirect_vreg.gather [hbm4b:s14+s3], $0x80, v4, vm0, $0xb8;
	[tilespmem:$0x10100] =	vst v63  }
0xb1: {  	s30 =	simm.s32 $0x8900  }
0xb2: {  	[tilespmem:s30], [sflag:$0x2] =	stream.indirect_vreg.gather [hbm4b:s4+s3], $0x80, v4, vm0, $0xb8;
	[tilespmem:$0x10100] =	vst v63  }
0xb3: {  	_ = 	snop  }
0xb4: {  	[tilespmem:s16], [sflag:$0x2] =	stream.indirect_vreg.gather [hbm4b:s5+s3], $0x80, v4, vm0, $0xb8;
	[tilespmem:$0x10100] =	vst v63  }
0xb5: {  	_ = 	snop  }
0xb6: {  	[tilespmem:s17], [sflag:$0x2] =	stream.indirect_vreg.gather [hbm4b:s6+s3], $0x80, v4, vm0, $0xb8;
	[tilespmem:$0x10100] =	vst v63  }
0xb7: {  	_ = 	snop  }
0xb8: {  	[tilespmem:s18], [sflag:$0x2] =	stream.indirect_vreg.gather [hbm4b:s7+s3], $0x80, v4, vm0, $0xb8;
	[tilespmem:$0x10100] =	vst v63  }
0xb9: {  	v3 =	vperm.xlane v3, v2  }
0xba: {  	[tilespmem:s19], [sflag:$0x2] =	stream.indirect_vreg.gather [hbm4b:s8+s3], $0x80, v4, vm0, $0xb8;
	[tilespmem:$0x10100] =	vst v63  }
0xbb: {  	v3 =	vadd.s32 v1, v3  }
0xbc: {  	[tilespmem:s20], [sflag:$0x2] =	stream.indirect_vreg.gather [hbm4b:s9+s3], $0x80, v4, vm0, $0xb8;
	[tilespmem:$0x10100] =	vst v63  }
0xbd: {  	_ = 	snop  }
0xbe: {  	[tilespmem:s21], [sflag:$0x2] =	stream.indirect_vreg.gather [hbm4b:s10+s3], $0x80, v4, vm0, $0xb8;
	[tilespmem:$0x10100] =	vst v63  }
0xbf: {  	_ = 	snop  }
0xc0: {  	[tilespmem:s22], [sflag:$0x2] =	stream.indirect_vreg.gather [hbm4b:s14+s3], $0x80, v3, vm0, $0xb8;
	[tilespmem:$0x10100] =	vst v63  }
0xc1: {  	_ = 	snop  }
0xc2: {  	[tilespmem:s23], [sflag:$0x2] =	stream.indirect_vreg.gather [hbm4b:s4+s3], $0x80, v3, vm0, $0xb8;
	[tilespmem:$0x10100] =	vst v63  }
0xc3: {  	_ = 	snop  }
0xc4: {  	[tilespmem:s24], [sflag:$0x2] =	stream.indirect_vreg.gather [hbm4b:s5+s3], $0x80, v3, vm0, $0xb8;
	[tilespmem:$0x10100] =	vst v63  }
0xc5: {  	_ = 	snop  }
0xc6: {  	[tilespmem:s25], [sflag:$0x2] =	stream.indirect_vreg.gather [hbm4b:s6+s3], $0x80, v3, vm0, $0xb8;
	[tilespmem:$0x10100] =	vst v63  }
0xc7: {  	_ = 	snop  }
0xc8: {  	[tilespmem:s26], [sflag:$0x2] =	stream.indirect_vreg.gather [hbm4b:s7+s3], $0x80, v3, vm0, $0xb8;
	[tilespmem:$0x10100] =	vst v63  }
0xc9: {  	_ = 	snop  }
0xca: {  	[tilespmem:s28], [sflag:$0x2] =	stream.indirect_vreg.gather [hbm4b:s8+s3], $0x80, v3, vm0, $0xb8;
	[tilespmem:$0x10100] =	vst v63  }
0xcb: {  	_ = 	snop  }
0xcc: {  	[tilespmem:s29], [sflag:$0x2] =	stream.indirect_vreg.gather [hbm4b:s9+s3], $0x80, v3, vm0, $0xb8;
	[tilespmem:$0x10100] =	vst v63  }
0xcd: {  	_ = 	snop  }
0xce: {  	[tilespmem:s31], [sflag:$0x2] =	stream.indirect_vreg.gather [hbm4b:s10+s3], $0x80, v3, vm0, $0xb8;
	[tilespmem:$0x10100] =	vst v63  }
0xcf: {  	_ =	swait.ge [sflag:s1], $0x8000  }
0xd0: {  	[sflag:s1] =	ssyncset.done $0x0  }
0xd1: {  	s15 =	rddreg [dreg:$0x9];
	[sflag:s1] =	ssyncadd.s32 $0xFFFF8000  }
0xd2: {  	[hbm4b:s15+s3] =	stream.linear.scatter [tilespmem:s0], [sflag:$0x3], $0x8000, $0x38;
	[tilespmem:$0x10100] =	vst v63  }
0xd3: {  	_ =	swait.ge [sflag:s12], $0x8000  }
0xd4: {  	[sflag:s12] =	ssyncset.done $0x0  }
0xd5: {  	s15 =	rddreg [dreg:$0xa];
	[sflag:s12] =	ssyncadd.s32 $0xFFFF8000  }
0xd6: {  	[tilespmem:s3], [sflag:$0x3] =	stream.linear.gather [hbm4b:s15+s3], $0x10, $0x38;
	[tilespmem:$0x10100] =	vst v63  }
0xd7: {  	_ =	swait.ge [sflag:s12], $0x10  }
0xd8: {  	[sflag:s12] =	ssyncset.done $0x0  }
0xd9: {  	[sflag:s12] =	ssyncadd.s32 $0xFFFFFFF0  }
0xda: {  	v3 =	vld [tilespmem:$0x0];
	_ =	sdelay $0x4  }
0xdb: {  	v63 =	vshll.u32 v3, $0x4  }
0xdc: {  	v3 =	vand.u32 $0x7, v3;
	v4 =	vand.u32 $0xFFFFFF80, v63  }
0xdd: {  	v3 =	vor.u32 v3, v4  }
0xde: {  	v4 =	vperm.xlane v3, v0;
	_ =	sdelay $0x1  }
0xdf: {  	v4 =	vadd.s32 v1, v4;
	_ =	sdelay $0x4  }
0xe0: {  	[tilespmem:s0], [sflag:$0x1] =	stream.indirect_vreg.gather [hbm4b:s14+s3], $0x80, v4, vm0, $0xb8;
	[tilespmem:$0x10100] =	vst v63  }
0xe1: {  	s30 =	simm.s32 $0x900  }
0xe2: {  	[tilespmem:s30], [sflag:$0x1] =	stream.indirect_vreg.gather [hbm4b:s4+s3], $0x80, v4, vm0, $0xb8;
	[tilespmem:$0x10100] =	vst v63  }
0xe3: {  	s30 =	simm.s32 $0x1100  }
0xe4: {  	[tilespmem:s30], [sflag:$0x1] =	stream.indirect_vreg.gather [hbm4b:s5+s3], $0x80, v4, vm0, $0xb8;
	[tilespmem:$0x10100] =	vst v63  }
0xe5: {  	s30 =	simm.s32 $0x1900  }
0xe6: {  	[tilespmem:s30], [sflag:$0x1] =	stream.indirect_vreg.gather [hbm4b:s6+s3], $0x80, v4, vm0, $0xb8;
	[tilespmem:$0x10100] =	vst v63  }
0xe7: {  	s30 =	simm.s32 $0x2100  }
0xe8: {  	[tilespmem:s30], [sflag:$0x1] =	stream.indirect_vreg.gather [hbm4b:s7+s3], $0x80, v4, vm0, $0xb8;
	[tilespmem:$0x10100] =	vst v63  }
0xe9: {  	v3 =	vperm.xlane v3, v2;
	s30 =	simm.s32 $0x2900  }
0xea: {  	[tilespmem:s30], [sflag:$0x1] =	stream.indirect_vreg.gather [hbm4b:s8+s3], $0x80, v4, vm0, $0xb8;
	[tilespmem:$0x10100] =	vst v63  }
0xeb: {  	v3 =	vadd.s32 v1, v3;
	s30 =	simm.s32 $0x3100  }
0xec: {  	[tilespmem:s30], [sflag:$0x1] =	stream.indirect_vreg.gather [hbm4b:s9+s3], $0x80, v4, vm0, $0xb8;
	[tilespmem:$0x10100] =	vst v63  }
0xed: {  	s30 =	simm.s32 $0x3900  }
0xee: {  	[tilespmem:s30], [sflag:$0x1] =	stream.indirect_vreg.gather [hbm4b:s10+s3], $0x80, v4, vm0, $0xb8;
	[tilespmem:$0x10100] =	vst v63  }
0xef: {  	s30 =	simm.s32 $0x4100  }
0xf0: {  	[tilespmem:s30], [sflag:$0x1] =	stream.indirect_vreg.gather [hbm4b:s14+s3], $0x80, v3, vm0, $0xb8;
	[tilespmem:$0x10100] =	vst v63  }
0xf1: {  	s30 =	simm.s32 $0x4900  }
0xf2: {  	[tilespmem:s30], [sflag:$0x1] =	stream.indirect_vreg.gather [hbm4b:s4+s3], $0x80, v3, vm0, $0xb8;
	[tilespmem:$0x10100] =	vst v63  }
0xf3: {  	s30 =	simm.s32 $0x5100  }
0xf4: {  	[tilespmem:s30], [sflag:$0x1] =	stream.indirect_vreg.gather [hbm4b:s5+s3], $0x80, v3, vm0, $0xb8;
	[tilespmem:$0x10100] =	vst v63  }
0xf5: {  	s30 =	simm.s32 $0x5900  }
0xf6: {  	[tilespmem:s30], [sflag:$0x1] =	stream.indirect_vreg.gather [hbm4b:s6+s3], $0x80, v3, vm0, $0xb8;
	[tilespmem:$0x10100] =	vst v63  }
0xf7: {  	s30 =	simm.s32 $0x6100  }
0xf8: {  	[tilespmem:s30], [sflag:$0x1] =	stream.indirect_vreg.gather [hbm4b:s7+s3], $0x80, v3, vm0, $0xb8;
	[tilespmem:$0x10100] =	vst v63  }
0xf9: {  	s30 =	simm.s32 $0x6900  }
0xfa: {  	[tilespmem:s30], [sflag:$0x1] =	stream.indirect_vreg.gather [hbm4b:s8+s3], $0x80, v3, vm0, $0xb8;
	[tilespmem:$0x10100] =	vst v63  }
0xfb: {  	s30 =	simm.s32 $0x7100  }
0xfc: {  	[tilespmem:s30], [sflag:$0x1] =	stream.indirect_vreg.gather [hbm4b:s9+s3], $0x80, v3, vm0, $0xb8;
	[tilespmem:$0x10100] =	vst v63  }
0xfd: {  	s30 =	simm.s32 $0x7900  }
0xfe: {  	[tilespmem:s30], [sflag:$0x1] =	stream.indirect_vreg.gather [hbm4b:s10+s3], $0x80, v3, vm0, $0xb8;
	[tilespmem:$0x10100] =	vst v63  }
0xff: {  	_ =	swait.ge [sflag:s2], $0x8000  }
0x100: {  	[sflag:s2] =	ssyncset.done $0x0  }
0x101: {  	s15 =	rddreg [dreg:$0xb];
	[sflag:s2] =	ssyncadd.s32 $0xFFFF8000  }
0x102: {  	[hbm4b:s15+s3] =	stream.linear.scatter [tilespmem:s13], [sflag:$0x3], $0x8000, $0x38;
	[tilespmem:$0x10100] =	vst v63  }
0x103: {  	_ =	swait.ge [sflag:s12], $0x8000  }
0x104: {  	[sflag:s12] =	ssyncset.done $0x0  }
0x105: {  	[sflag:s12] =	ssyncadd.s32 $0xFFFF8000  }
0x106: {  	_ =	swait.ge [sflag:s1], $0x8000  }
0x107: {  	p0 =	sne.s32 s11, $0x1;
	[sflag:s1] =	ssyncset.done $0x0  }
.Ltmp0:
0x108: {  	s15 =	rddreg [dreg:$0xc];
	[sflag:s1] =	ssyncadd.s32 $0xFFFF8000;
	(pc) =	sbr.rel @p0 .LBB2_1-.Ltmp0, $4  }
0x109: {  	[hbm4b:s15+s3] =	stream.linear.scatter [tilespmem:s0], [sflag:$0x3], $0x8000, $0x38;
	[tilespmem:$0x10100] =	vst v63  }
0x10a: {  	_ =	swait.ge [sflag:s12], $0x8000  }
0x10b: {  	[sflag:s12] =	ssyncset.done $0x0  }
0x10c: {  	s11 =	sadd.s32 $0xFFFFFFFF, s11;
	[sflag:s12] =	ssyncadd.s32 $0xFFFF8000  }
0x10d: {  	_ =	sfence.sel $0x180000  }
0x10e: {  	[bflag:$0x0] =	sbarrier.arrive $0xFFFF  }
0x10f: {  	_ =	strace $0x9000004A  }
0x110: {  	s0 =	stileid.u32;
	[bflag:$0x2] =	sbarrier.arrive $0xFFFF  }
0x111: {  	p0 =	sne.s32 s0, $0x0;
	s0 =	rddreg [dreg:$0x2]  }
0x112: {  	s0 =	sadd.s32 @!p0 $0x100000, s0  }
0x113: {  	[sflag:s0] =	ssyncadd.tile.s32 @!p0 $0x1;
	_ =	shalt  }
.Lfunc_end2:
_tile_overlayer_lowered:
.L_overlay_start_2:
0x114: {  	(tag) =	ssettag $0x2  }
0x115: {  	s0 =	rddreg [dreg:$0x0];
	s2 =	stileid.u32  }
0x116: {  	s1 =	rddreg [dreg:$0x1];
	p0 =	sne.s32 s2, $0x0  }
0x117: {  	s3 =	rddreg [dreg:$0x2];
	[bflag:$0x3] =	sbarrier.arrive $0xFFFF;
	s2 =	simm.s32 @!p0 $0x1C03  }
0x118: {  	[timem:s3], [sflag:s2] =	dma.local @!p0 [hbm:s0], s1  }
0x119: {  	s0 =	simm.s32 @!p0 $0x3  }
0x11a: {  	_ =	swait.ge @!p0 [sflag:s0], s1  }
0x11b: {  	s1 =	ssub.s32 @!p0 $0x0, s1;
	[sflag:s0] =	ssyncset.done @!p0 $0x0  }
0x11c: {  	[sflag:s0] =	ssyncadd.s32 @!p0 s1  }
0x11d: {  	[bflag:$0x3] =	sbarrier.arrive $0xFFFF  }
0x11e: {  	_ =	shalt  }

// kernel: kernel.9.cloned.1.call-start
scs
__scs_entry_jumppad:
0x0: {  	(pc) =	sbr.rel $0x88, $3  }
0x1: {  	(tag) =	ssettag $0x0;
	lr =	simm.s32 $0x1  }
0x2: {  	[smem:$0x3F9B] =	sst lr;
	_ =	strace $0xD0000000  }
0x3: {  	_ = 	snop  }
0x4: {  	_ = 	snop  }
0x5: {  	_ = 	snop  }
0x6: {  	_ = 	snop  }
0x7: {  	_ = 	snop  }
__scs_overlays_trampoline_lowered:
0x8: {  	[smem:$0x3FAA] =	sst s0  }
0x9: {  	[smem:$0x3FAB] =	sst s1  }
0xa: {  	[smem:$0x3FAC] =	sst s2  }
0xb: {  	[smem:$0x3FAD] =	sst s3  }
0xc: {  	[smem:$0x3FAE] =	sst s4  }
0xd: {  	[smem:$0x3FAF] =	sst s5  }
0xe: {  	[smem:$0x3FB0] =	sst s6  }
0xf: {  	[smem:$0x3FB1] =	sst s7  }
0x10: {  	[smem:$0x3FB2] =	sst s8  }
0x11: {  	[smem:$0x3FB3] =	sst s9;
	s0 =	simm.s32 @!p0 $0x0  }
0x12: {  	s1 =	sld [smem:$0x3F99];
	s0 =	simm.s32 @p0 $0x1  }
0x13: {  	[smem:$0x3FB4] =	sst s0;
	s0 =	simm.s32 @!p1 $0x0  }
0x14: {  	s2 =	sld [smem:$0x3F98];
	s0 =	simm.s32 @p1 $0x1  }
0x15: {  	[smem:$0x3FB5] =	sst s0;
	s0 =	simm.s32 @!p2 $0x0  }
0x16: {  	s3 =	sld [smem:$0x3FDB];
	s0 =	simm.s32 @p2 $0x1  }
0x17: {  	s4 =	simm.s32 $0x1BF5;
	[smem:$0x3FB7] =	sst s0  }
0x18: {  	s0 =	sld [smem:$0x3F9A];
	_ =	swait.ge [sflag:s4], $0x0  }
0x19: {  	s7 =	sld [smem:$0x3F9B]  }
0x1a: {  	s8 =	sadd.s32 $0xFFFFE003, lr  }
0x1b: {  	s9 =	sadd.s32 $0xFFFFFEF7, lr;
	s5 =	simm.s32 $0xFFFFFFFF;
	p2 =	slt.u32 s8, $0xFFFFF086  }
0x1c: {  	p1 =	slt.u32 s9, $0xF7A;
	s5 =	simm.s32 @!p2 $0x0  }
0x1d: {  	s5 =	simm.s32 @p1 $0x1;
	p0 =	seq.s32 s7, s2  }
0x1e: {  	s7 =	smul.u32 @!p0 $0xF7A, s2;
	p2 =	seq.s32 @!p0 s5, $0x0  }
0x1f: {  	s9 =	smul.u32 $0xF7A, s1;
	s8 =	simm.s32 @!p0 $0x1BF5;
	p2 =	por !p2, p0  }
0x20: {  	[sflag:s8] =	ssyncset.s32 @!p0 $0xFFFFF086;
	s6 =	sadd.s32 @!p0 s3, s7;
	s7 =	simm.s32 @!p0 $0x108  }
0x21: {  	s3 =	sadd.s32 s3, s9;
	s6 =	sadd.s32 @!p0 $0x88, s6;
	s7 =	simm.s32 @p2 $0x1082  }
0x22: {  	[simem:s7], [sflag:s8] =	dma.local @!p0 [hbm:s6], $0xF7A  }
0x23: {  	s9 =	sor.u32 $0xD0000000, s2;
	s6 =	simm.s32 $0x108;
	_ =	swait.ge @!p0 [sflag:s8], $0x0  }
0x24: {  	s3 =	sadd.s32 $0x88, s3;
	s6 =	simm.s32 @!p1 $0x1082;
	[sflag:s4] =	ssyncset.s32 $0xFFFFF086  }
0x25: {  	[simem:s6], [sflag:s4] =	dma.local [hbm:s3], $0xF7A  }
0x26: {  	[smem:$0x3F9B] =	sst s1;
	(tag) =	ssettag s2;
	_ =	strace s9  }
0x27: {  	s1 =	sld [smem:$0x3FAB]  }
0x28: {  	s2 =	sld [smem:$0x3FAC]  }
0x29: {  	s4 =	sld [smem:$0x3FAE]  }
0x2a: {  	p0 =	seq.s32 s5, $0x0;
	s5 =	sld [smem:$0x3FAF]  }
0x2b: {  	s6 =	sld [smem:$0x3FB0]  }
0x2c: {  	s7 =	sld [smem:$0x3FB1]  }
0x2d: {  	s3 =	simm.s32 $0x108;
	s8 =	sld [smem:$0x3FB2]  }
0x2e: {  	s3 =	simm.s32 @!p0 $0x1082;
	s9 =	sld [smem:$0x3FB3]  }
0x2f: {  	lr =	sadd.s32 s0, s3;
	s0 =	sld [smem:$0x3FAA]  }
0x30: {  	s3 =	sld [smem:$0x3FAD]  }
0x31: {  	[smem:$0x3FB6] =	sst s10  }
0x32: {  	s10 =	sld [smem:$0x3FB4];
	_ =	sdelay $0x3  }
0x33: {  	p0 =	seq.s32 s10, $0x1;
	s10 =	sld [smem:$0x3FB6];
	_ =	sdelay $0x3  }
0x34: {  	[smem:$0x3FB6] =	sst s10  }
0x35: {  	s10 =	sld [smem:$0x3FB5];
	_ =	sdelay $0x3  }
0x36: {  	p1 =	seq.s32 s10, $0x1;
	s10 =	sld [smem:$0x3FB6];
	_ =	sdelay $0x3  }
0x37: {  	[smem:$0x3FB6] =	sst s10  }
0x38: {  	s10 =	sld [smem:$0x3FB7]  }
0x39: {  	_ = 	snop;
	(pc) =	sbr.ind lr, $3  }
0x3a: {  	_ = 	snop  }
0x3b: {  	_ = 	snop  }
0x3c: {  	p2 =	seq.s32 s10, $0x1;
	s10 =	sld [smem:$0x3FB6]  }
0x3d: {  	_ =	shalt  }
0x3e: {  	_ =	shalt  }
0x3f: {  	_ =	shalt  }
0x40: {  	_ =	shalt  }
0x41: {  	_ =	shalt  }
0x42: {  	_ =	shalt  }
0x43: {  	_ =	shalt  }
0x44: {  	_ =	shalt  }
0x45: {  	_ =	shalt  }
0x46: {  	_ =	shalt  }
0x47: {  	_ =	shalt  }
0x48: {  	_ =	shalt  }
0x49: {  	_ =	shalt  }
0x4a: {  	_ =	shalt  }
0x4b: {  	_ =	shalt  }
0x4c: {  	_ =	shalt  }
0x4d: {  	_ =	shalt  }
0x4e: {  	_ =	shalt  }
0x4f: {  	_ =	shalt  }
0x50: {  	_ =	shalt  }
0x51: {  	_ =	shalt  }
0x52: {  	_ =	shalt  }
0x53: {  	_ =	shalt  }
0x54: {  	_ =	shalt  }
0x55: {  	_ =	shalt  }
0x56: {  	_ =	shalt  }
0x57: {  	_ =	shalt  }
0x58: {  	_ =	shalt  }
0x59: {  	_ =	shalt  }
0x5a: {  	_ =	shalt  }
0x5b: {  	_ =	shalt  }
0x5c: {  	_ =	shalt  }
0x5d: {  	_ =	shalt  }
0x5e: {  	_ =	shalt  }
0x5f: {  	_ =	shalt  }
0x60: {  	_ =	shalt  }
0x61: {  	_ =	shalt  }
0x62: {  	_ =	shalt  }
0x63: {  	_ =	shalt  }
0x64: {  	_ =	shalt  }
0x65: {  	_ =	shalt  }
0x66: {  	_ =	shalt  }
0x67: {  	_ =	shalt  }
0x68: {  	_ =	shalt  }
0x69: {  	_ =	shalt  }
0x6a: {  	_ =	shalt  }
0x6b: {  	_ =	shalt  }
0x6c: {  	_ =	shalt  }
0x6d: {  	_ =	shalt  }
0x6e: {  	_ =	shalt  }
0x6f: {  	_ =	shalt  }
0x70: {  	_ =	shalt  }
0x71: {  	_ =	shalt  }
0x72: {  	_ =	shalt  }
0x73: {  	_ =	shalt  }
0x74: {  	_ =	shalt  }
0x75: {  	_ =	shalt  }
0x76: {  	_ =	shalt  }
0x77: {  	_ =	shalt  }
0x78: {  	_ =	shalt  }
0x79: {  	_ =	shalt  }
0x7a: {  	_ =	shalt  }
0x7b: {  	_ =	shalt  }
0x7c: {  	_ =	shalt  }
0x7d: {  	_ =	shalt  }
0x7e: {  	_ =	shalt  }
0x7f: {  	_ =	shalt  }
0x80: {  	_ =	shalt  }
0x81: {  	_ =	shalt  }
0x82: {  	_ =	shalt  }
0x83: {  	_ =	shalt  }
0x84: {  	_ =	shalt  }
0x85: {  	_ =	shalt  }
0x86: {  	_ =	shalt  }
0x87: {  	_ =	shalt  }
.Lfunc_end0:
.L_simem_size_0:
called_computation.2_lowered:
.L_overlay_start_0:
0x88: {  	s2 =	sld [smem:$0x3FD9]  }
0x89: {  	s3 =	sld [smem:$0x3FFE];
	_ =	sdelay $0x1  }
0x8a: {  	s1 =	srdreg.scid  }
0x8b: {  	s0 =	sand.u32 $0x1, s1  }
0x8c: {  	s17 =	sshll.u32 s0, $0xA;
	s2 =	sadd.s32 s3, s2  }
0x8d: {  	s2 =	sadd.s32 s2, s17  }
0x8e: {  	[smem:$0x3FC2] =	sst s2  }
0x8f: {  	_ = 	snop  }
0x90: {  	s2 =	sld [smem:$0x3FD0];
	(tm) =	ssettm $0x1  }
0x91: {  	s18 =	sld [smem:$0x3FFB];
	_ =	sdelay $0x3  }
0x92: {  	_ =	strace s18  }
0x93: {  	s3 =	sld [smem:$0x3FFC];
	_ =	sdelay $0x3  }
0x94: {  	_ =	strace s3  }
0x95: {  	s3 =	sld [smem:$0x3FFD];
	_ =	sdelay $0x3  }
0x96: {  	_ =	strace s3  }
0x97: {  	_ =	strace $0x8FFFFFFF  }
0x98: {  	s19 =	sld [smem:$0x3FDB];
	_ =	sdelay $0x1  }
0x99: {  	s4 =	simm.s32 $_scs_section_size  }
0x9a: {  	s5 =	simm.s32 $_size__tile_overlayer_lowered;
	s6 =	simm.s32 $_tile_overlayer_lowered  }
0x9b: {  	s22 =	simm.s32 $0x1BFF;
	s21 =	sshll.u32 s6, $0x1;
	s3 =	sadd.s32 s4, s19  }
0x9c: {  	s7 =	simm.s32 $0x0;
	s20 =	sshll.u32 s5, $0x1;
	s5 =	sadd.s32 s21, s3  }
0x9d: {  	[timem:s7], [sflag:s22] =	dma.local [hbm:s5], s20  }
0x9e: {  	_ =	swait.ge [sflag:s22], s20  }
0x9f: {  	s4 =	ssub.s32 $0x0, s20;
	[sflag:s22] =	ssyncset.done $0x0  }
0xa0: {  	[sflag:s22] =	ssyncadd.s32 s4;
	_ =	sdelay $0x1  }
0xa1: {  	s23 =	simm.s32 $0x1B8B  }
0xa2: {  	_ =	swait.ge [sflag:s23], $0x1  }
0xa3: {  	[sflag:s23] =	ssyncset.done $0x0  }
0xa4: {  	s25 =	simm.s32 $0x1B8E;
	s24 =	sld [smem:$0x3FFE];
	[sflag:s23] =	ssyncadd.s32 $0xFFFFFFFF  }
0xa5: {  	s26 =	simm.s32 $execute0_lowered;
	[smem:$0x3FD2] =	sst s25  }
0xa6: {  	s5 =	sshll.u32 s26, $0x1;
	_ =	strace $0x8000004C;
	[dreg:$0x1] =	wrdreg $0xFFFFFFFF  }
0xa7: {  	s28 =	simm.s32 $_size_execute0_lowered;
	s3 =	sadd.s32 s3, s5;
	[dreg:$0x0] =	wrdreg $0x0  }
0xa8: {  	s5 =	sshll.u32 s28, $0x1;
	[dreg:$0x2] =	wrdreg s3  }
0xa9: {  	[dreg:$0x3] =	wrdreg s5  }
0xaa: {  	[dreg:$0x4] =	wrdreg $0xC0  }
0xab: {  	_ =	task [dreg:s7], $0x5FFFF  }
0xac: {  	[dreg:$0x1] =	wrdreg $0xFFFFFFFF  }
0xad: {  	[dreg:$0x0] =	wrdreg $0x60  }
0xae: {  	[dreg:$0x2] =	wrdreg s24  }
0xaf: {  	[dreg:$0x3] =	wrdreg s2  }
0xb0: {  	[dreg:$0x4] =	wrdreg $0x9  }
0xb1: {  	_ =	task.clear_ibuf [dreg:s7], $0x5FFFF;
	_ =	strace $0x9000004C  }
0xb2: {  	s29 =	simm.s32 $0x9;
	_ =	strace $0x8000004E  }
0xb3: {  	_ =	swait.ge [sflag:s29], $0x1  }
0xb4: {  	[sflag:s29] =	ssyncadd.s32 $0xFFFFFFFF  }
0xb5: {  	_ =	strace $0x9000004E  }
0xb6: {  	_ =	sfence  }
0xb7: {  	s30 =	sld [smem:$0x0];
	_ =	sdelay $0x2  }
0xb8: {  	s31 =	sshll.u32 s1, $0xD;
	s1 =	sshrl.u32 s1, $0x2  }
0xb9: {  	s3 =	sand.u32 $0x4000, s31;
	s1 =	sadd.s32 s1, s30  }
0xba: {  	s0 =	sor.u32 s3, s0;
	s1 =	sshll.u32 s1, $0x11  }
0xbb: {  	s0 =	sor.u32 s1, s0  }
0xbc: {  	s0 =	sadd.s32 $0x8F2B, s0  }
0xbd: {  	[sflag:s0] =	ssyncadd.remote.s32 $0x1  }
0xbe: {  	_ =	sfence.sel $0xFFFF  }
0xbf: {  	[dreg:$0x0] =	wrdreg $0xFFFFFFFF;
	(pc) =	sbr.abs _section_cstart, $3  }
0xc0: {  	[dreg:$0x1] =	wrdreg $0xFFFFFFFF  }
0xc1: {  	_ =	task.clear_ibuf [dreg:s7], $0x2FFFF;
	_ =	strace $0x9FFFFFFF  }
0xc2: {  	(tm) =	ssettm $0x7FFFFFFF  }
0xc3: {  	_ =	shalt  }
tec
execute0_lowered:
.L_overlay_start_1:
0x0: {  	(tag) =	ssettag $0x1  }
0x1: {  	s0 =	rddreg [dreg:$0x0]  }
0x2: {  	s1 =	rddreg [dreg:$0x1];
	s3 =	srdreg.scid  }
0x3: {  	s2 =	simm.s32 $0x0;
	s4 =	stileid.u32;
	s28 =	simm.s32 $0x1  }
0x4: {  	s29 =	simm.s32 $0x2;
	s31 =	simm.s32 $0x100;
	s15 =	simm.s32 $0x2100  }
0x5: {  	s16 =	simm.s32 $0x2900;
	s17 =	simm.s32 $0x3100;
	s18 =	simm.s32 $0x3900  }
0x6: {  	s19 =	simm.s32 $0x4100;
	s20 =	simm.s32 $0x4900;
	s3 =	sand.u32 $0x1, s3  }
0x7: {  	[smem:$0x7FF] =	sst s2;
	s4 =	sshll.u32 s4, $0x7;
	s10 =	sadd.s32 $0x200, s0  }
0x8: {  	s7 =	sadd.s32 $0x800, s0;
	s5 =	sshll.u32 s3, $0x6;
	_ =	strace $0x8000004D  }
0x9: {  	s6 =	ssub.s32 $0x2, s3;
	s3 =	sadd.s32 $0x400, s0;
	s9 =	sor.u32 s5, s4  }
0xa: {  	s21 =	sshrl.u32 s6, $0x1;
	s4 =	sadd.s32 $0x500, s0;
	s5 =	sshrl.u32 s9, $0x3  }
0xb: {  	s11 =	ssub.s32 s6, s21;
	s12 =	sor.u32 $0x10, s9;
	s6 =	sadd.s32 $0x700, s0  }
0xc: {  	s13 =	sshll.u32 s9, $0x8;
	s14 =	sor.u32 $0x20, s9;
	s9 =	sor.u32 $0x30, s9  }
0xd: {  	s21 =	simm.s32 $0x5100;
	s22 =	sadd.s32 s10, s5;
	s5 =	sadd.s32 $0x600, s0  }
0xe: {  	s8 =	sshrl.u32 s12, $0x3;
	s13 =	sadd.s32 s1, s13;
	s23 =	sshrl.u32 s14, $0x3  }
0xf: {  	s12 =	sshll.u32 s12, $0x8;
	s24 =	sshrl.u32 s9, $0x3;
	s25 =	sshll.u32 s14, $0x8  }
0x10: {  	s30 =	sshll.u32 s9, $0x8;
	s9 =	sadd.s32 $0xA00, s0;
	[dreg:$0x3] =	wrdreg s22  }
0x11: {  	s11 =	smax.u32 s11, $0x1;
	s8 =	sadd.s32 s10, s8;
	[dreg:$0x5] =	wrdreg s13  }
0x12: {  	s14 =	simm.s32 $0x1900;
	s13 =	sadd.s32 s10, s23;
	[dreg:$0x4] =	wrdreg s8  }
0x13: {  	s12 =	sadd.s32 s1, s12;
	s10 =	sadd.s32 s10, s24;
	[dreg:$0x6] =	wrdreg s13  }
0x14: {  	s26 =	sadd.s32 s1, s25;
	s1 =	sadd.s32 s1, s30;
	[dreg:$0x7] =	wrdreg s12  }
0x15: {  	s22 =	simm.s32 $0x5900;
	s23 =	simm.s32 $0x6100;
	[dreg:$0x8] =	wrdreg s10  }
0x16: {  	v2 =	vlaneseq.u32;
	s24 =	simm.s32 $0x6900;
	s25 =	simm.s32 $0x7100;
	[dreg:$0x9] =	wrdreg s26  }
0x17: {  	vm0 =	vmmov $0xffff;
	v1 =	vshrl.u32 v2, $0x3;
	s8 =	sadd.s32 $0x900, s0;
	s10 =	sadd.s32 $0xB00, s0;
	[dreg:$0xa] =	wrdreg s1  }
0x18: {  	v0 =	vand.u32 $0x7, v2;
	v2 =	vor.u32 $0x8, v2;
	v1 =	vmul.u32 $0x8, v1;
	s12 =	simm.s32 $0x3;
	s13 =	simm.s32 $0x900;
	s26 =	simm.s32 $0x7900  }
.LBB2_1:
0x19: {  	s30 =	rddreg [dreg:$0x3]  }
0x1a: {  	[tilespmem:s2], [sflag:$0x3] =	stream.linear.gather [hbm4b:s30+s2], $0x10, $0x38;
	[tilespmem:$0x10100] =	vst v63  }
0x1b: {  	_ =	swait.ge [sflag:s12], $0x10  }
0x1c: {  	[sflag:s12] =	ssyncset.done $0x0  }
0x1d: {  	[sflag:s12] =	ssyncadd.s32 $0xFFFFFFF0  }
0x1e: {  	v3 =	vld [tilespmem:$0x0];
	_ =	sdelay $0x4  }
0x1f: {  	v4 =	vshll.u32 v3, $0x4  }
0x20: {  	v3 =	vand.u32 $0x7, v3;
	v4 =	vand.u32 $0xFFFFFF80, v4  }
0x21: {  	v3 =	vor.u32 v3, v4  }
0x22: {  	v4 =	vperm.xlane v3, v0;
	_ =	sdelay $0x1  }
0x23: {  	v4 =	vadd.s32 v1, v4;
	_ =	sdelay $0x4  }
0x24: {  	[tilespmem:s31], [sflag:$0x1] =	stream.indirect_vreg.gather [hbm4b:s3+s2], $0x80, v4, vm0, $0xb8;
	[tilespmem:$0x10100] =	vst v63  }
0x25: {  	_ = 	snop  }
0x26: {  	[tilespmem:s13], [sflag:$0x1] =	stream.indirect_vreg.gather [hbm4b:s4+s2], $0x80, v4, vm0, $0xb8;
	[tilespmem:$0x10100] =	vst v63  }
0x27: {  	s1 =	simm.s32 $0x1100  }
0x28: {  	[tilespmem:s1], [sflag:$0x1] =	stream.indirect_vreg.gather [hbm4b:s5+s2], $0x80, v4, vm0, $0xb8;
	[tilespmem:$0x10100] =	vst v63  }
0x29: {  	_ = 	snop  }
0x2a: {  	[tilespmem:s14], [sflag:$0x1] =	stream.indirect_vreg.gather [hbm4b:s6+s2], $0x80, v4, vm0, $0xb8;
	[tilespmem:$0x10100] =	vst v63  }
0x2b: {  	_ = 	snop  }
0x2c: {  	[tilespmem:s15], [sflag:$0x1] =	stream.indirect_vreg.gather [hbm4b:s7+s2], $0x80, v4, vm0, $0xb8;
	[tilespmem:$0x10100] =	vst v63  }
0x2d: {  	v3 =	vperm.xlane v3, v2  }
0x2e: {  	[tilespmem:s16], [sflag:$0x1] =	stream.indirect_vreg.gather [hbm4b:s8+s2], $0x80, v4, vm0, $0xb8;
	[tilespmem:$0x10100] =	vst v63  }
0x2f: {  	v3 =	vadd.s32 v1, v3  }
0x30: {  	[tilespmem:s17], [sflag:$0x1] =	stream.indirect_vreg.gather [hbm4b:s9+s2], $0x80, v4, vm0, $0xb8;
	[tilespmem:$0x10100] =	vst v63  }
0x31: {  	_ = 	snop  }
0x32: {  	[tilespmem:s18], [sflag:$0x1] =	stream.indirect_vreg.gather [hbm4b:s10+s2], $0x80, v4, vm0, $0xb8;
	[tilespmem:$0x10100] =	vst v63  }
0x33: {  	_ = 	snop  }
0x34: {  	[tilespmem:s19], [sflag:$0x1] =	stream.indirect_vreg.gather [hbm4b:s3+s2], $0x80, v3, vm0, $0xb8;
	[tilespmem:$0x10100] =	vst v63  }
0x35: {  	_ = 	snop  }
0x36: {  	[tilespmem:s20], [sflag:$0x1] =	stream.indirect_vreg.gather [hbm4b:s4+s2], $0x80, v3, vm0, $0xb8;
	[tilespmem:$0x10100] =	vst v63  }
0x37: {  	_ = 	snop  }
0x38: {  	[tilespmem:s21], [sflag:$0x1] =	stream.indirect_vreg.gather [hbm4b:s5+s2], $0x80, v3, vm0, $0xb8;
	[tilespmem:$0x10100] =	vst v63  }
0x39: {  	_ = 	snop  }
0x3a: {  	[tilespmem:s22], [sflag:$0x1] =	stream.indirect_vreg.gather [hbm4b:s6+s2], $0x80, v3, vm0, $0xb8;
	[tilespmem:$0x10100] =	vst v63  }
0x3b: {  	_ = 	snop  }
0x3c: {  	[tilespmem:s23], [sflag:$0x1] =	stream.indirect_vreg.gather [hbm4b:s7+s2], $0x80, v3, vm0, $0xb8;
	[tilespmem:$0x10100] =	vst v63  }
0x3d: {  	_ = 	snop  }
0x3e: {  	[tilespmem:s24], [sflag:$0x1] =	stream.indirect_vreg.gather [hbm4b:s8+s2], $0x80, v3, vm0, $0xb8;
	[tilespmem:$0x10100] =	vst v63  }
0x3f: {  	_ = 	snop  }
0x40: {  	[tilespmem:s25], [sflag:$0x1] =	stream.indirect_vreg.gather [hbm4b:s9+s2], $0x80, v3, vm0, $0xb8;
	[tilespmem:$0x10100] =	vst v63  }
0x41: {  	_ = 	snop  }
0x42: {  	[tilespmem:s26], [sflag:$0x1] =	stream.indirect_vreg.gather [hbm4b:s10+s2], $0x80, v3, vm0, $0xb8;
	[tilespmem:$0x10100] =	vst v63  }
0x43: {  	s0 =	simm.s32 $0x80;
	s30 =	rddreg [dreg:$0x4]  }
0x44: {  	[tilespmem:s0], [sflag:$0x3] =	stream.linear.gather [hbm4b:s30+s2], $0x10, $0x38;
	[tilespmem:$0x10100] =	vst v63  }
0x45: {  	_ =	swait.ge [sflag:s12], $0x10  }
0x46: {  	[sflag:s12] =	ssyncset.done $0x0  }
0x47: {  	[sflag:s12] =	ssyncadd.s32 $0xFFFFFFF0  }
0x48: {  	v3 =	vld [tilespmem:$0x80];
	_ =	sdelay $0x4  }
0x49: {  	v61 =	vshll.u32 v3, $0x4  }
0x4a: {  	v3 =	vand.u32 $0x7, v3;
	v4 =	vand.u32 $0xFFFFFF80, v61  }
0x4b: {  	v3 =	vor.u32 v3, v4  }
0x4c: {  	v4 =	vperm.xlane v3, v0;
	_ =	sdelay $0x1  }
0x4d: {  	v4 =	vadd.s32 v1, v4;
	_ =	sdelay $0x3  }
0x4e: {  	s0 =	simm.s32 $0x8100  }
0x4f: {  	[tilespmem:s0], [sflag:$0x2] =	stream.indirect_vreg.gather [hbm4b:s3+s2], $0x80, v4, vm0, $0xb8;
	[tilespmem:$0x10100] =	vst v63  }
0x50: {  	s30 =	simm.s32 $0x8900  }
0x51: {  	[tilespmem:s30], [sflag:$0x2] =	stream.indirect_vreg.gather [hbm4b:s4+s2], $0x80, v4, vm0, $0xb8;
	[tilespmem:$0x10100] =	vst v63  }
0x52: {  	s30 =	simm.s32 $0x9100  }
0x53: {  	[tilespmem:s30], [sflag:$0x2] =	stream.indirect_vreg.gather [hbm4b:s5+s2], $0x80, v4, vm0, $0xb8;
	[tilespmem:$0x10100] =	vst v63  }
0x54: {  	s30 =	simm.s32 $0x9900  }
0x55: {  	[tilespmem:s30], [sflag:$0x2] =	stream.indirect_vreg.gather [hbm4b:s6+s2], $0x80, v4, vm0, $0xb8;
	[tilespmem:$0x10100] =	vst v63  }
0x56: {  	s30 =	simm.s32 $0xA100  }
0x57: {  	[tilespmem:s30], [sflag:$0x2] =	stream.indirect_vreg.gather [hbm4b:s7+s2], $0x80, v4, vm0, $0xb8;
	[tilespmem:$0x10100] =	vst v63  }
0x58: {  	v3 =	vperm.xlane v3, v2;
	s30 =	simm.s32 $0xA900  }
0x59: {  	[tilespmem:s30], [sflag:$0x2] =	stream.indirect_vreg.gather [hbm4b:s8+s2], $0x80, v4, vm0, $0xb8;
	[tilespmem:$0x10100] =	vst v63  }
0x5a: {  	v3 =	vadd.s32 v1, v3;
	s30 =	simm.s32 $0xB100  }
0x5b: {  	[tilespmem:s30], [sflag:$0x2] =	stream.indirect_vreg.gather [hbm4b:s9+s2], $0x80, v4, vm0, $0xb8;
	[tilespmem:$0x10100] =	vst v63  }
0x5c: {  	s30 =	simm.s32 $0xB900  }
0x5d: {  	[tilespmem:s30], [sflag:$0x2] =	stream.indirect_vreg.gather [hbm4b:s10+s2], $0x80, v4, vm0, $0xb8;
	[tilespmem:$0x10100] =	vst v63  }
0x5e: {  	s30 =	simm.s32 $0xC100  }
0x5f: {  	[tilespmem:s30], [sflag:$0x2] =	stream.indirect_vreg.gather [hbm4b:s3+s2], $0x80, v3, vm0, $0xb8;
	[tilespmem:$0x10100] =	vst v63  }
0x60: {  	s30 =	simm.s32 $0xC900  }
0x61: {  	[tilespmem:s30], [sflag:$0x2] =	stream.indirect_vreg.gather [hbm4b:s4+s2], $0x80, v3, vm0, $0xb8;
	[tilespmem:$0x10100] =	vst v63  }
0x62: {  	s30 =	simm.s32 $0xD100  }
0x63: {  	[tilespmem:s30], [sflag:$0x2] =	stream.indirect_vreg.gather [hbm4b:s5+s2], $0x80, v3, vm0, $0xb8;
	[tilespmem:$0x10100] =	vst v63  }
0x64: {  	s30 =	simm.s32 $0xD900  }
0x65: {  	[tilespmem:s30], [sflag:$0x2] =	stream.indirect_vreg.gather [hbm4b:s6+s2], $0x80, v3, vm0, $0xb8;
	[tilespmem:$0x10100] =	vst v63  }
0x66: {  	s30 =	simm.s32 $0xE100  }
0x67: {  	[tilespmem:s30], [sflag:$0x2] =	stream.indirect_vreg.gather [hbm4b:s7+s2], $0x80, v3, vm0, $0xb8;
	[tilespmem:$0x10100] =	vst v63  }
0x68: {  	s30 =	simm.s32 $0xE900  }
0x69: {  	[tilespmem:s30], [sflag:$0x2] =	stream.indirect_vreg.gather [hbm4b:s8+s2], $0x80, v3, vm0, $0xb8;
	[tilespmem:$0x10100] =	vst v63  }
0x6a: {  	s30 =	simm.s32 $0xF100  }
0x6b: {  	[tilespmem:s30], [sflag:$0x2] =	stream.indirect_vreg.gather [hbm4b:s9+s2], $0x80, v3, vm0, $0xb8;
	[tilespmem:$0x10100] =	vst v63  }
0x6c: {  	s30 =	simm.s32 $0xF900  }
0x6d: {  	[tilespmem:s30], [sflag:$0x2] =	stream.indirect_vreg.gather [hbm4b:s10+s2], $0x80, v3, vm0, $0xb8;
	[tilespmem:$0x10100] =	vst v63  }
0x6e: {  	_ =	swait.ge [sflag:s28], $0x8000  }
0x6f: {  	[sflag:s28] =	ssyncset.done $0x0  }
0x70: {  	s30 =	rddreg [dreg:$0x5];
	[sflag:s28] =	ssyncadd.s32 $0xFFFF8000  }
0x71: {  	[hbm4b:s30+s2] =	stream.linear.scatter [tilespmem:s31], [sflag:$0x3], $0x8000, $0x38;
	[tilespmem:$0x10100] =	vst v63  }
0x72: {  	_ =	swait.ge [sflag:s12], $0x8000  }
0x73: {  	[sflag:s12] =	ssyncset.done $0x0  }
0x74: {  	s30 =	rddreg [dreg:$0x6];
	[sflag:s12] =	ssyncadd.s32 $0xFFFF8000  }
0x75: {  	[tilespmem:s2], [sflag:$0x3] =	stream.linear.gather [hbm4b:s30+s2], $0x10, $0x38;
	[tilespmem:$0x10100] =	vst v63  }
0x76: {  	_ =	swait.ge [sflag:s12], $0x10  }
0x77: {  	[sflag:s12] =	ssyncset.done $0x0  }
0x78: {  	[sflag:s12] =	ssyncadd.s32 $0xFFFFFFF0  }
0x79: {  	v3 =	vld [tilespmem:$0x0];
	_ =	sdelay $0x4  }
0x7a: {  	v62 =	vshll.u32 v3, $0x4  }
0x7b: {  	v3 =	vand.u32 $0x7, v3;
	v4 =	vand.u32 $0xFFFFFF80, v62  }
0x7c: {  	v3 =	vor.u32 v3, v4  }
0x7d: {  	v4 =	vperm.xlane v3, v0;
	_ =	sdelay $0x1  }
0x7e: {  	v4 =	vadd.s32 v1, v4;
	_ =	sdelay $0x4  }
0x7f: {  	[tilespmem:s31], [sflag:$0x1] =	stream.indirect_vreg.gather [hbm4b:s3+s2], $0x80, v4, vm0, $0xb8;
	[tilespmem:$0x10100] =	vst v63  }
0x80: {  	_ = 	snop  }
0x81: {  	[tilespmem:s13], [sflag:$0x1] =	stream.indirect_vreg.gather [hbm4b:s4+s2], $0x80, v4, vm0, $0xb8;
	[tilespmem:$0x10100] =	vst v63  }
0x82: {  	_ = 	snop  }
0x83: {  	[tilespmem:s1], [sflag:$0x1] =	stream.indirect_vreg.gather [hbm4b:s5+s2], $0x80, v4, vm0, $0xb8;
	[tilespmem:$0x10100] =	vst v63  }
0x84: {  	_ = 	snop  }
0x85: {  	[tilespmem:s14], [sflag:$0x1] =	stream.indirect_vreg.gather [hbm4b:s6+s2], $0x80, v4, vm0, $0xb8;
	[tilespmem:$0x10100] =	vst v63  }
0x86: {  	_ = 	snop  }
0x87: {  	[tilespmem:s15], [sflag:$0x1] =	stream.indirect_vreg.gather [hbm4b:s7+s2], $0x80, v4, vm0, $0xb8;
	[tilespmem:$0x10100] =	vst v63  }
0x88: {  	v3 =	vperm.xlane v3, v2  }
0x89: {  	[tilespmem:s16], [sflag:$0x1] =	stream.indirect_vreg.gather [hbm4b:s8+s2], $0x80, v4, vm0, $0xb8;
	[tilespmem:$0x10100] =	vst v63  }
0x8a: {  	v3 =	vadd.s32 v1, v3  }
0x8b: {  	[tilespmem:s17], [sflag:$0x1] =	stream.indirect_vreg.gather [hbm4b:s9+s2], $0x80, v4, vm0, $0xb8;
	[tilespmem:$0x10100] =	vst v63  }
0x8c: {  	_ = 	snop  }
0x8d: {  	[tilespmem:s18], [sflag:$0x1] =	stream.indirect_vreg.gather [hbm4b:s10+s2], $0x80, v4, vm0, $0xb8;
	[tilespmem:$0x10100] =	vst v63  }
0x8e: {  	_ = 	snop  }
0x8f: {  	[tilespmem:s19], [sflag:$0x1] =	stream.indirect_vreg.gather [hbm4b:s3+s2], $0x80, v3, vm0, $0xb8;
	[tilespmem:$0x10100] =	vst v63  }
0x90: {  	_ = 	snop  }
0x91: {  	[tilespmem:s20], [sflag:$0x1] =	stream.indirect_vreg.gather [hbm4b:s4+s2], $0x80, v3, vm0, $0xb8;
	[tilespmem:$0x10100] =	vst v63  }
0x92: {  	_ = 	snop  }
0x93: {  	[tilespmem:s21], [sflag:$0x1] =	stream.indirect_vreg.gather [hbm4b:s5+s2], $0x80, v3, vm0, $0xb8;
	[tilespmem:$0x10100] =	vst v63  }
0x94: {  	_ = 	snop  }
0x95: {  	[tilespmem:s22], [sflag:$0x1] =	stream.indirect_vreg.gather [hbm4b:s6+s2], $0x80, v3, vm0, $0xb8;
	[tilespmem:$0x10100] =	vst v63  }
0x96: {  	_ = 	snop  }
0x97: {  	[tilespmem:s23], [sflag:$0x1] =	stream.indirect_vreg.gather [hbm4b:s7+s2], $0x80, v3, vm0, $0xb8;
	[tilespmem:$0x10100] =	vst v63  }
0x98: {  	_ = 	snop  }
0x99: {  	[tilespmem:s24], [sflag:$0x1] =	stream.indirect_vreg.gather [hbm4b:s8+s2], $0x80, v3, vm0, $0xb8;
	[tilespmem:$0x10100] =	vst v63  }
0x9a: {  	_ = 	snop  }
0x9b: {  	[tilespmem:s25], [sflag:$0x1] =	stream.indirect_vreg.gather [hbm4b:s9+s2], $0x80, v3, vm0, $0xb8;
	[tilespmem:$0x10100] =	vst v63  }
0x9c: {  	_ = 	snop  }
0x9d: {  	[tilespmem:s26], [sflag:$0x1] =	stream.indirect_vreg.gather [hbm4b:s10+s2], $0x80, v3, vm0, $0xb8;
	[tilespmem:$0x10100] =	vst v63  }
0x9e: {  	_ =	swait.ge [sflag:s29], $0x8000  }
0x9f: {  	[sflag:s29] =	ssyncset.done $0x0  }
0xa0: {  	s1 =	rddreg [dreg:$0x7];
	[sflag:s29] =	ssyncadd.s32 $0xFFFF8000  }
0xa1: {  	[hbm4b:s1+s2] =	stream.linear.scatter [tilespmem:s0], [sflag:$0x3], $0x8000, $0x38;
	[tilespmem:$0x10100] =	vst v63  }
0xa2: {  	_ =	swait.ge [sflag:s12], $0x8000  }
0xa3: {  	[sflag:s12] =	ssyncset.done $0x0  }
0xa4: {  	s1 =	simm.s32 $0x80;
	s30 =	rddreg [dreg:$0x8];
	[sflag:s12] =	ssyncadd.s32 $0xFFFF8000  }
0xa5: {  	[tilespmem:s1], [sflag:$0x3] =	stream.linear.gather [hbm4b:s30+s2], $0x10, $0x38;
	[tilespmem:$0x10100] =	vst v63  }
0xa6: {  	_ =	swait.ge [sflag:s12], $0x10  }
0xa7: {  	[sflag:s12] =	ssyncset.done $0x0  }
0xa8: {  	[sflag:s12] =	ssyncadd.s32 $0xFFFFFFF0  }
0xa9: {  	v3 =	vld [tilespmem:$0x80];
	_ =	sdelay $0x4  }
0xaa: {  	v63 =	vshll.u32 v3, $0x4  }
0xab: {  	v3 =	vand.u32 $0x7, v3;
	v4 =	vand.u32 $0xFFFFFF80, v63  }
0xac: {  	v3 =	vor.u32 v3, v4  }
0xad: {  	v4 =	vperm.xlane v3, v0;
	_ =	sdelay $0x1  }
0xae: {  	v4 =	vadd.s32 v1, v4;
	_ =	sdelay $0x4  }
0xaf: {  	[tilespmem:s0], [sflag:$0x2] =	stream.indirect_vreg.gather [hbm4b:s3+s2], $0x80, v4, vm0, $0xb8;
	[tilespmem:$0x10100] =	vst v63  }
0xb0: {  	s30 =	simm.s32 $0x8900  }
0xb1: {  	[tilespmem:s30], [sflag:$0x2] =	stream.indirect_vreg.gather [hbm4b:s4+s2], $0x80, v4, vm0, $0xb8;
	[tilespmem:$0x10100] =	vst v63  }
0xb2: {  	s30 =	simm.s32 $0x9100  }
0xb3: {  	[tilespmem:s30], [sflag:$0x2] =	stream.indirect_vreg.gather [hbm4b:s5+s2], $0x80, v4, vm0, $0xb8;
	[tilespmem:$0x10100] =	vst v63  }
0xb4: {  	s30 =	simm.s32 $0x9900  }
0xb5: {  	[tilespmem:s30], [sflag:$0x2] =	stream.indirect_vreg.gather [hbm4b:s6+s2], $0x80, v4, vm0, $0xb8;
	[tilespmem:$0x10100] =	vst v63  }
0xb6: {  	s30 =	simm.s32 $0xA100  }
0xb7: {  	[tilespmem:s30], [sflag:$0x2] =	stream.indirect_vreg.gather [hbm4b:s7+s2], $0x80, v4, vm0, $0xb8;
	[tilespmem:$0x10100] =	vst v63  }
0xb8: {  	v3 =	vperm.xlane v3, v2;
	s30 =	simm.s32 $0xA900  }
0xb9: {  	[tilespmem:s30], [sflag:$0x2] =	stream.indirect_vreg.gather [hbm4b:s8+s2], $0x80, v4, vm0, $0xb8;
	[tilespmem:$0x10100] =	vst v63  }
0xba: {  	v3 =	vadd.s32 v1, v3;
	s30 =	simm.s32 $0xB100  }
0xbb: {  	[tilespmem:s30], [sflag:$0x2] =	stream.indirect_vreg.gather [hbm4b:s9+s2], $0x80, v4, vm0, $0xb8;
	[tilespmem:$0x10100] =	vst v63  }
0xbc: {  	s30 =	simm.s32 $0xB900  }
0xbd: {  	[tilespmem:s30], [sflag:$0x2] =	stream.indirect_vreg.gather [hbm4b:s10+s2], $0x80, v4, vm0, $0xb8;
	[tilespmem:$0x10100] =	vst v63  }
0xbe: {  	s30 =	simm.s32 $0xC100  }
0xbf: {  	[tilespmem:s30], [sflag:$0x2] =	stream.indirect_vreg.gather [hbm4b:s3+s2], $0x80, v3, vm0, $0xb8;
	[tilespmem:$0x10100] =	vst v63  }
0xc0: {  	s30 =	simm.s32 $0xC900  }
0xc1: {  	[tilespmem:s30], [sflag:$0x2] =	stream.indirect_vreg.gather [hbm4b:s4+s2], $0x80, v3, vm0, $0xb8;
	[tilespmem:$0x10100] =	vst v63  }
0xc2: {  	s30 =	simm.s32 $0xD100  }
0xc3: {  	[tilespmem:s30], [sflag:$0x2] =	stream.indirect_vreg.gather [hbm4b:s5+s2], $0x80, v3, vm0, $0xb8;
	[tilespmem:$0x10100] =	vst v63  }
0xc4: {  	s30 =	simm.s32 $0xD900  }
0xc5: {  	[tilespmem:s30], [sflag:$0x2] =	stream.indirect_vreg.gather [hbm4b:s6+s2], $0x80, v3, vm0, $0xb8;
	[tilespmem:$0x10100] =	vst v63  }
0xc6: {  	s30 =	simm.s32 $0xE100  }
0xc7: {  	[tilespmem:s30], [sflag:$0x2] =	stream.indirect_vreg.gather [hbm4b:s7+s2], $0x80, v3, vm0, $0xb8;
	[tilespmem:$0x10100] =	vst v63  }
0xc8: {  	s30 =	simm.s32 $0xE900  }
0xc9: {  	[tilespmem:s30], [sflag:$0x2] =	stream.indirect_vreg.gather [hbm4b:s8+s2], $0x80, v3, vm0, $0xb8;
	[tilespmem:$0x10100] =	vst v63  }
0xca: {  	s30 =	simm.s32 $0xF100  }
0xcb: {  	[tilespmem:s30], [sflag:$0x2] =	stream.indirect_vreg.gather [hbm4b:s9+s2], $0x80, v3, vm0, $0xb8;
	[tilespmem:$0x10100] =	vst v63  }
0xcc: {  	s30 =	simm.s32 $0xF900  }
0xcd: {  	[tilespmem:s30], [sflag:$0x2] =	stream.indirect_vreg.gather [hbm4b:s10+s2], $0x80, v3, vm0, $0xb8;
	[tilespmem:$0x10100] =	vst v63  }
0xce: {  	_ =	swait.ge [sflag:s28], $0x8000  }
0xcf: {  	[sflag:s28] =	ssyncset.done $0x0  }
0xd0: {  	s1 =	rddreg [dreg:$0x9];
	[sflag:s28] =	ssyncadd.s32 $0xFFFF8000  }
0xd1: {  	[hbm4b:s1+s2] =	stream.linear.scatter [tilespmem:s31], [sflag:$0x3], $0x8000, $0x38;
	[tilespmem:$0x10100] =	vst v63  }
0xd2: {  	_ =	swait.ge [sflag:s12], $0x8000  }
0xd3: {  	[sflag:s12] =	ssyncset.done $0x0  }
0xd4: {  	[sflag:s12] =	ssyncadd.s32 $0xFFFF8000  }
0xd5: {  	_ =	swait.ge [sflag:s29], $0x8000  }
0xd6: {  	p0 =	sne.s32 s11, $0x1;
	[sflag:s29] =	ssyncset.done $0x0  }
.Ltmp0:
0xd7: {  	s1 =	rddreg [dreg:$0xa];
	[sflag:s29] =	ssyncadd.s32 $0xFFFF8000;
	(pc) =	sbr.rel @p0 .LBB2_1-.Ltmp0, $4  }
0xd8: {  	[hbm4b:s1+s2] =	stream.linear.scatter [tilespmem:s0], [sflag:$0x3], $0x8000, $0x38;
	[tilespmem:$0x10100] =	vst v63  }
0xd9: {  	_ =	swait.ge [sflag:s12], $0x8000  }
0xda: {  	[sflag:s12] =	ssyncset.done $0x0  }
0xdb: {  	s11 =	sadd.s32 $0xFFFFFFFF, s11;
	[sflag:s12] =	ssyncadd.s32 $0xFFFF8000  }
0xdc: {  	_ =	sfence.sel $0x180000  }
0xdd: {  	[bflag:$0x0] =	sbarrier.arrive $0xFFFF  }
0xde: {  	_ =	strace $0x9000004D  }
0xdf: {  	s0 =	stileid.u32;
	[bflag:$0x2] =	sbarrier.arrive $0xFFFF  }
0xe0: {  	p0 =	sne.s32 s0, $0x0;
	s0 =	rddreg [dreg:$0x2]  }
0xe1: {  	s0 =	sadd.s32 @!p0 $0x100000, s0  }
0xe2: {  	[sflag:s0] =	ssyncadd.tile.s32 @!p0 $0x1;
	_ =	shalt  }
.Lfunc_end2:
_tile_overlayer_lowered:
.L_overlay_start_2:
0xe3: {  	(tag) =	ssettag $0x2  }
0xe4: {  	s0 =	rddreg [dreg:$0x0];
	s2 =	stileid.u32  }
0xe5: {  	s1 =	rddreg [dreg:$0x1];
	p0 =	sne.s32 s2, $0x0  }
0xe6: {  	s3 =	rddreg [dreg:$0x2];
	[bflag:$0x3] =	sbarrier.arrive $0xFFFF;
	s2 =	simm.s32 @!p0 $0x1C03  }
0xe7: {  	[timem:s3], [sflag:s2] =	dma.local @!p0 [hbm:s0], s1  }
0xe8: {  	s0 =	simm.s32 @!p0 $0x3  }
0xe9: {  	_ =	swait.ge @!p0 [sflag:s0], s1  }
0xea: {  	s1 =	ssub.s32 @!p0 $0x0, s1;
	[sflag:s0] =	ssyncset.done @!p0 $0x0  }
0xeb: {  	[sflag:s0] =	ssyncadd.s32 @!p0 s1  }
0xec: {  	[bflag:$0x3] =	sbarrier.arrive $0xFFFF  }
0xed: {  	_ =	shalt  }

</sc_bundles>
